<compile_context>
chip_gen: v7x
topology: tpu7x:2x2x1
jax: 0.10.2.dev20260603
libtpu: 0.0.44.dev20260713+nightly
codegen_flags: <defaults>
</compile_context>

<pallas_src>
import functools

import numpy as np
import jax
import jax.numpy as jnp
from jax import lax
from jax.experimental import pallas as pl
from jax.experimental.pallas import tpu as pltpu
from jax.experimental.pallas import tpu_sc as plsc

_I1_VALS = [70273749298880, 38956906369248, 16316086777680, 83297495521792,
            191839786542528, 376992761456332, 221880851359940, 0,
            -16781096230092, -27847728347500, -98222995813580, 0,
            793685538262556]

_ROW = 127
_H = 1024
_D = 13
_PLANE = _H * _D
_CH = _PLANE // 2
_NSLOTS = 11


def _sc_body(a1, a2, a3, a4, a5, out, buf):
    wid = lax.axis_index("s") * 2 + lax.axis_index("c")
    slot = wid // 2
    h = wid % 2
    c0 = h * _CH

    for k, ref in enumerate((a1, a2, a3, a4)):
        @pl.when(slot == k)
        def _(ref=ref):
            pltpu.sync_copy(ref.at[pl.ds(_ROW, 1), pl.ds(c0, _CH)], buf)

    for k in range(7):
        @pl.when(slot == 4 + k)
        def _(k=k):
            pltpu.sync_copy(a5.at[pl.ds(k * 128 + _ROW, 1), pl.ds(c0, _CH)],
                            buf)

    for k in range(_NSLOTS):
        @pl.when(slot == k)
        def _(k=k):
            pltpu.sync_copy(buf, out.at[pl.ds(k, 1), pl.ds(c0, _CH)])


_sc_gather = functools.partial(
    pl.kernel,
    _sc_body,
    out_type=jax.ShapeDtypeStruct((16, _PLANE), jnp.float32),
    mesh=plsc.VectorSubcoreMesh(core_axis_name="c", subcore_axis_name="s",
                                num_cores=2, num_subcores=16),
    compiler_params=pltpu.CompilerParams(needs_layout_passes=False,
                                         use_tc_tiling_on_sc=True),
    scratch_types=[
        pltpu.VMEM((1, _CH), jnp.float32),
    ],
)()


def _tc_mul_body(g, m, out):
    out[...] = g[0:_NSLOTS, :] * m[...]


def kernel(x1, x2, x3, x4, x5, size):
    del size
    g = _sc_gather(
        x1.reshape(128, _PLANE), x2.reshape(128, _PLANE),
        x3.reshape(128, _PLANE), x4.reshape(128, _PLANE),
        x5.reshape(7 * 128, _PLANE))
    m = jnp.asarray(np.tile(np.asarray(_I1_VALS, dtype=np.float32),
                            _H).reshape(1, _PLANE))
    out = pl.pallas_call(
        _tc_mul_body,
        grid=(1,),
        out_shape=jax.ShapeDtypeStruct((_NSLOTS, _PLANE), jnp.float32),
        in_specs=[
            pl.BlockSpec((16, _PLANE), lambda i: (0, 0)),
            pl.BlockSpec((1, _PLANE), lambda i: (0, 0)),
        ],
        out_specs=pl.BlockSpec((_NSLOTS, _PLANE), lambda i: (0, 0)),
    )(g, m)
    return out.reshape(_NSLOTS, 1, _H, _D)

# --- scband reference (transcript-rebuilt; emitter-appended) ---
"""Pipeline reference for scband-model-39676907882216 (READ-ONLY COPY).

The authoritative reference and input builder live on the scoring server;
editing this copy changes nothing except your own understanding.
"""

import jax, jax.numpy as jnp
import numpy as np

I1_VALS = [70273749298880, 38956906369248, 16316086777680, 83297495521792, 191839786542528, 376992761456332, 221880851359940, 0, -16781096230092, -27847728347500, -98222995813580, 0, 793685538262556]
I2_VALS = [65279, 44612, 19652, 83839, 17440, 34485, 151729, 0, -20462, -38108, -123384, 0, 561049]


def _normalize_indices(idx, dim):
    # JAX/torch-style negative index wrap, then clamp to valid range (JAX default OOB behavior)
    idx = jnp.where(idx < 0, idx + dim, idx)
    return jnp.clip(idx, 0, dim - 1)


def setup_inputs(seed: int = 0) -> dict:
    key = jax.random.key(seed)
    k1, k2, k3, k4, k5 = jax.random.split(key, 5)
    x1 = jax.random.normal(k1, (1, 128, 1024, 13), dtype=jnp.float32)
    x2 = jax.random.normal(k2, (1, 128, 1024, 13), dtype=jnp.float32)
    x3 = jax.random.normal(k3, (1, 128, 1024, 13), dtype=jnp.float32)
    x4 = jax.random.normal(k4, (1, 128, 1024, 13), dtype=jnp.float32)
    x5 = jax.random.normal(k5, (7, 128, 1024, 13), dtype=jnp.float32)
    return {"x1": x1, "x2": x2, "x3": x3, "x4": x4, "x5": x5, "size": 1}


def reference(x1, x2, x3, x4, x5, size):
    c1 = jnp.concatenate([x1, x2, x3, x4, x5], axis=0)  # [11, C, H, 13]
    i1 = jnp.asarray(I1_VALS, dtype=jnp.float32)  # int64*float32 promotes to float32 in torch
    i2 = jnp.asarray(I2_VALS, dtype=jnp.int32)
    c2 = i1 * c1  # broadcast over last dim (13)
    C = c2.shape[1]
    # b1 = c2[:, -2**127] in the original: a hugely OOB negative index.
    # Under JAX clamp semantics this resolves to index 0 on axis 1.
    b1 = c2[:, 0]
    # l1 = c2[:, i2.tolist()] : gather on axis 1 with wrap+clamp semantics
    idx = _normalize_indices(i2, C)
    l1 = jnp.take(c2, idx, axis=1)  # [11, 13, H, 13]
    # a1 = torch.cat([b1, l1], dim=1) is dead code and shape-inconsistent
    # (b1 has the indexed dim squeezed); it does not affect the returned value.
    return jax.lax.dynamic_slice_in_dim(l1, size - size, 1, axis=1)

if __name__ == "__main__":
    import jax
    _d = setup_inputs()
    print(jax.jit(kernel)(*tuple(_d.values())))

</pallas_src>

<mosaic_0001>
#map = affine_map<(d0, d1) -> (0, 0)>
module attributes {stable_mosaic.version = 14 : i64} {
  func.func @_sc_body(%arg0: i32, %arg1: i32, %arg2: memref<128x13312xf32, #tpu.memory_space<hbm>>, %arg3: memref<128x13312xf32, #tpu.memory_space<hbm>>, %arg4: memref<128x13312xf32, #tpu.memory_space<hbm>>, %arg5: memref<128x13312xf32, #tpu.memory_space<hbm>>, %arg6: memref<896x13312xf32, #tpu.memory_space<hbm>>, %arg7: memref<16x13312xf32, #tpu.memory_space<hbm>>, %arg8: memref<1x6656xf32, #tpu.memory_space<vmem>>) attributes {dimension_semantics = [#tpu.dimension_semantics<core_parallel>, #tpu.dimension_semantics<subcore_parallel>], iteration_bounds = array<i64: 2, 16>, scalar_prefetch = 0 : i64, scratch_operands = 1 : i64, tpu.core_type = #tpu.core_type<sc_vector_subcore>, window_params = [{transform_indices = #map}, {transform_indices = #map}, {transform_indices = #map}, {transform_indices = #map}, {transform_indices = #map}, {transform_indices = #map}]} {
    %mul3A = arith.constant 2 : i32
    %mul3A_0 = arith.muli %arg1, %mul3A : i32
    %add3A = arith.addi %mul3A_0, %arg0 : i32
    %jit3A = arith.constant 2 : i32
    %div3A = arith.divsi %add3A, %jit3A : i32
    %sign3A = arith.constant 0 : i32
    %sign3A_1 = arith.cmpi sgt, %add3A, %sign3A : i32
    %sign3A_2 = arith.extui %sign3A_1 : i1 to i32
    %sign3A_3 = arith.constant 0 : i32
    %sign3A_4 = arith.cmpi slt, %add3A, %sign3A_3 : i32
    %sign3A_5 = arith.extui %sign3A_4 : i1 to i32
    %sign3A_6 = arith.subi %sign3A_2, %sign3A_5 : i32
    %sign3A_7 = arith.constant 0 : i32
    %sign3A_8 = arith.cmpi sgt, %jit3A, %sign3A_7 : i32
    %sign3A_9 = arith.extui %sign3A_8 : i1 to i32
    %sign3A_10 = arith.constant 0 : i32
    %sign3A_11 = arith.cmpi slt, %jit3A, %sign3A_10 : i32
    %sign3A_12 = arith.extui %sign3A_11 : i1 to i32
    %sign3A_13 = arith.subi %sign3A_9, %sign3A_12 : i32
    %ne3A = arith.cmpi ne, %sign3A_6, %sign3A_13 : i32
    %rem3A = arith.remsi %add3A, %jit3A : i32
    %ne3A_14 = arith.constant 0 : i32
    %ne3A_15 = arith.cmpi ne, %rem3A, %ne3A_14 : i32
    %and3A = arith.andi %ne3A, %ne3A_15 : i1
    %sub3A = arith.constant 1 : i32
    %sub3A_16 = arith.subi %div3A, %sub3A : i32
    %select_n3A = arith.select %and3A, %sub3A_16, %div3A : i32
    %jit3A_17 = arith.constant 2 : i32
    %eq3A = arith.constant 0 : i32
    %eq3A_18 = arith.cmpi eq, %jit3A_17, %eq3A : i32
    %jit3A_19 = arith.constant 1 : i32
    %select_n3A_20 = arith.select %eq3A_18, %jit3A_19, %jit3A_17 : i32
    %rem3A_21 = arith.remsi %add3A, %select_n3A_20 : i32
    %ne3A_22 = arith.constant 0 : i32
    %ne3A_23 = arith.cmpi ne, %rem3A_21, %ne3A_22 : i32
    %lt3A = arith.constant 0 : i32
    %lt3A_24 = arith.cmpi slt, %rem3A_21, %lt3A : i32
    %lt3A_25 = arith.constant 0 : i32
    %lt3A_26 = arith.cmpi slt, %select_n3A_20, %lt3A_25 : i32
    %ne3A_27 = arith.xori %lt3A_24, %lt3A_26 : i1
    %and3A_28 = arith.andi %ne3A_27, %ne3A_23 : i1
    %add3A_29 = arith.addi %rem3A_21, %select_n3A_20 : i32
    %select_n3A_30 = arith.select %and3A_28, %add3A_29, %rem3A_21 : i32
    %mul3A_31 = arith.constant 6656 : i32
    %mul3A_32 = arith.muli %select_n3A_30, %mul3A_31 : i32
    %eq3A_33 = arith.constant 0 : i32
    %eq3A_34 = arith.cmpi eq, %select_n3A, %eq3A_33 : i32
    %convert_element_type3A = arith.extui %eq3A_34 : i1 to i32
    %cond3A = arith.constant 0 : i32
    %cond3A_35 = arith.cmpi ne, %convert_element_type3A, %cond3A : i32
    scf.if %cond3A_35 {
      "tpu.region"() ({
        %run_scoped3A = tpu.sem_alloc : memref<!tpu.dma_semaphore, #tpu.memory_space<semaphore_mem>>
        %dma_start3A = arith.constant 127 : i32
        %dma_start3A_141 = tpu.memref_slice %arg2[%dma_start3A, %mul3A_32] : memref<128x13312xf32, #tpu.memory_space<hbm>> -> memref<1x6656xf32, #tpu.memory_space<hbm>>
        %dma_start3A_142 = arith.constant 127 : i32
        %dma_start3A_143 = tpu.memref_slice %arg2[%dma_start3A_142, %mul3A_32] : memref<128x13312xf32, #tpu.memory_space<hbm>> -> memref<1x6656xf32, #tpu.memory_space<hbm>>
        tpu.enqueue_dma source(%dma_start3A_143 : memref<1x6656xf32, #tpu.memory_space<hbm>>) target(%arg8 : memref<1x6656xf32, #tpu.memory_space<vmem>>) target_semaphore(%run_scoped3A : memref<!tpu.dma_semaphore, #tpu.memory_space<semaphore_mem>>)
        %dma_wait3A = arith.constant 127 : i32
        %dma_wait3A_144 = tpu.memref_slice %arg2[%dma_wait3A, %mul3A_32] : memref<128x13312xf32, #tpu.memory_space<hbm>> -> memref<1x6656xf32, #tpu.memory_space<hbm>>
        %dma_wait3A_145 = arith.constant 127 : i32
        %dma_wait3A_146 = tpu.memref_slice %arg2[%dma_wait3A_145, %mul3A_32] : memref<128x13312xf32, #tpu.memory_space<hbm>> -> memref<1x6656xf32, #tpu.memory_space<hbm>>
        tpu.wait_dma2 semaphore(%run_scoped3A : memref<!tpu.dma_semaphore, #tpu.memory_space<semaphore_mem>>) src(%dma_wait3A_146 : memref<1x6656xf32, #tpu.memory_space<hbm>>) dst(%arg8 : memref<1x6656xf32, #tpu.memory_space<vmem>>)
        tpu.yield
      }) : () -> ()
    } else {
    }
    %eq3A_36 = arith.constant 1 : i32
    %eq3A_37 = arith.cmpi eq, %select_n3A, %eq3A_36 : i32
    %convert_element_type3A_38 = arith.extui %eq3A_37 : i1 to i32
    %cond3A_39 = arith.constant 0 : i32
    %cond3A_40 = arith.cmpi ne, %convert_element_type3A_38, %cond3A_39 : i32
    scf.if %cond3A_40 {
      "tpu.region"() ({
        %run_scoped3A = tpu.sem_alloc : memref<!tpu.dma_semaphore, #tpu.memory_space<semaphore_mem>>
        %dma_start3A = arith.constant 127 : i32
        %dma_start3A_141 = tpu.memref_slice %arg3[%dma_start3A, %mul3A_32] : memref<128x13312xf32, #tpu.memory_space<hbm>> -> memref<1x6656xf32, #tpu.memory_space<hbm>>
        %dma_start3A_142 = arith.constant 127 : i32
        %dma_start3A_143 = tpu.memref_slice %arg3[%dma_start3A_142, %mul3A_32] : memref<128x13312xf32, #tpu.memory_space<hbm>> -> memref<1x6656xf32, #tpu.memory_space<hbm>>
        tpu.enqueue_dma source(%dma_start3A_143 : memref<1x6656xf32, #tpu.memory_space<hbm>>) target(%arg8 : memref<1x6656xf32, #tpu.memory_space<vmem>>) target_semaphore(%run_scoped3A : memref<!tpu.dma_semaphore, #tpu.memory_space<semaphore_mem>>)
        %dma_wait3A = arith.constant 127 : i32
        %dma_wait3A_144 = tpu.memref_slice %arg3[%dma_wait3A, %mul3A_32] : memref<128x13312xf32, #tpu.memory_space<hbm>> -> memref<1x6656xf32, #tpu.memory_space<hbm>>
        %dma_wait3A_145 = arith.constant 127 : i32
        %dma_wait3A_146 = tpu.memref_slice %arg3[%dma_wait3A_145, %mul3A_32] : memref<128x13312xf32, #tpu.memory_space<hbm>> -> memref<1x6656xf32, #tpu.memory_space<hbm>>
        tpu.wait_dma2 semaphore(%run_scoped3A : memref<!tpu.dma_semaphore, #tpu.memory_space<semaphore_mem>>) src(%dma_wait3A_146 : memref<1x6656xf32, #tpu.memory_space<hbm>>) dst(%arg8 : memref<1x6656xf32, #tpu.memory_space<vmem>>)
        tpu.yield
      }) : () -> ()
    } else {
    }
    %eq3A_41 = arith.constant 2 : i32
    %eq3A_42 = arith.cmpi eq, %select_n3A, %eq3A_41 : i32
    %convert_element_type3A_43 = arith.extui %eq3A_42 : i1 to i32
    %cond3A_44 = arith.constant 0 : i32
    %cond3A_45 = arith.cmpi ne, %convert_element_type3A_43, %cond3A_44 : i32
    scf.if %cond3A_45 {
      "tpu.region"() ({
        %run_scoped3A = tpu.sem_alloc : memref<!tpu.dma_semaphore, #tpu.memory_space<semaphore_mem>>
        %dma_start3A = arith.constant 127 : i32
        %dma_start3A_141 = tpu.memref_slice %arg4[%dma_start3A, %mul3A_32] : memref<128x13312xf32, #tpu.memory_space<hbm>> -> memref<1x6656xf32, #tpu.memory_space<hbm>>
        %dma_start3A_142 = arith.constant 127 : i32
        %dma_start3A_143 = tpu.memref_slice %arg4[%dma_start3A_142, %mul3A_32] : memref<128x13312xf32, #tpu.memory_space<hbm>> -> memref<1x6656xf32, #tpu.memory_space<hbm>>
        tpu.enqueue_dma source(%dma_start3A_143 : memref<1x6656xf32, #tpu.memory_space<hbm>>) target(%arg8 : memref<1x6656xf32, #tpu.memory_space<vmem>>) target_semaphore(%run_scoped3A : memref<!tpu.dma_semaphore, #tpu.memory_space<semaphore_mem>>)
        %dma_wait3A = arith.constant 127 : i32
        %dma_wait3A_144 = tpu.memref_slice %arg4[%dma_wait3A, %mul3A_32] : memref<128x13312xf32, #tpu.memory_space<hbm>> -> memref<1x6656xf32, #tpu.memory_space<hbm>>
        %dma_wait3A_145 = arith.constant 127 : i32
        %dma_wait3A_146 = tpu.memref_slice %arg4[%dma_wait3A_145, %mul3A_32] : memref<128x13312xf32, #tpu.memory_space<hbm>> -> memref<1x6656xf32, #tpu.memory_space<hbm>>
        tpu.wait_dma2 semaphore(%run_scoped3A : memref<!tpu.dma_semaphore, #tpu.memory_space<semaphore_mem>>) src(%dma_wait3A_146 : memref<1x6656xf32, #tpu.memory_space<hbm>>) dst(%arg8 : memref<1x6656xf32, #tpu.memory_space<vmem>>)
        tpu.yield
      }) : () -> ()
    } else {
    }
    %eq3A_46 = arith.constant 3 : i32
    %eq3A_47 = arith.cmpi eq, %select_n3A, %eq3A_46 : i32
    %convert_element_type3A_48 = arith.extui %eq3A_47 : i1 to i32
    %cond3A_49 = arith.constant 0 : i32
    %cond3A_50 = arith.cmpi ne, %convert_element_type3A_48, %cond3A_49 : i32
    scf.if %cond3A_50 {
      "tpu.region"() ({
        %run_scoped3A = tpu.sem_alloc : memref<!tpu.dma_semaphore, #tpu.memory_space<semaphore_mem>>
        %dma_start3A = arith.constant 127 : i32
        %dma_start3A_141 = tpu.memref_slice %arg5[%dma_start3A, %mul3A_32] : memref<128x13312xf32, #tpu.memory_space<hbm>> -> memref<1x6656xf32, #tpu.memory_space<hbm>>
        %dma_start3A_142 = arith.constant 127 : i32
        %dma_start3A_143 = tpu.memref_slice %arg5[%dma_start3A_142, %mul3A_32] : memref<128x13312xf32, #tpu.memory_space<hbm>> -> memref<1x6656xf32, #tpu.memory_space<hbm>>
        tpu.enqueue_dma source(%dma_start3A_143 : memref<1x6656xf32, #tpu.memory_space<hbm>>) target(%arg8 : memref<1x6656xf32, #tpu.memory_space<vmem>>) target_semaphore(%run_scoped3A : memref<!tpu.dma_semaphore, #tpu.memory_space<semaphore_mem>>)
        %dma_wait3A = arith.constant 127 : i32
        %dma_wait3A_144 = tpu.memref_slice %arg5[%dma_wait3A, %mul3A_32] : memref<128x13312xf32, #tpu.memory_space<hbm>> -> memref<1x6656xf32, #tpu.memory_space<hbm>>
        %dma_wait3A_145 = arith.constant 127 : i32
        %dma_wait3A_146 = tpu.memref_slice %arg5[%dma_wait3A_145, %mul3A_32] : memref<128x13312xf32, #tpu.memory_space<hbm>> -> memref<1x6656xf32, #tpu.memory_space<hbm>>
        tpu.wait_dma2 semaphore(%run_scoped3A : memref<!tpu.dma_semaphore, #tpu.memory_space<semaphore_mem>>) src(%dma_wait3A_146 : memref<1x6656xf32, #tpu.memory_space<hbm>>) dst(%arg8 : memref<1x6656xf32, #tpu.memory_space<vmem>>)
        tpu.yield
      }) : () -> ()
    } else {
    }
    %eq3A_51 = arith.constant 4 : i32
    %eq3A_52 = arith.cmpi eq, %select_n3A, %eq3A_51 : i32
    %convert_element_type3A_53 = arith.extui %eq3A_52 : i1 to i32
    %cond3A_54 = arith.constant 0 : i32
    %cond3A_55 = arith.cmpi ne, %convert_element_type3A_53, %cond3A_54 : i32
    scf.if %cond3A_55 {
      "tpu.region"() ({
        %run_scoped3A = tpu.sem_alloc : memref<!tpu.dma_semaphore, #tpu.memory_space<semaphore_mem>>
        %dma_start3A = arith.constant 127 : i32
        %dma_start3A_141 = tpu.memref_slice %arg6[%dma_start3A, %mul3A_32] : memref<896x13312xf32, #tpu.memory_space<hbm>> -> memref<1x6656xf32, #tpu.memory_space<hbm>>
        %dma_start3A_142 = arith.constant 127 : i32
        %dma_start3A_143 = tpu.memref_slice %arg6[%dma_start3A_142, %mul3A_32] : memref<896x13312xf32, #tpu.memory_space<hbm>> -> memref<1x6656xf32, #tpu.memory_space<hbm>>
        tpu.enqueue_dma source(%dma_start3A_143 : memref<1x6656xf32, #tpu.memory_space<hbm>>) target(%arg8 : memref<1x6656xf32, #tpu.memory_space<vmem>>) target_semaphore(%run_scoped3A : memref<!tpu.dma_semaphore, #tpu.memory_space<semaphore_mem>>)
        %dma_wait3A = arith.constant 127 : i32
        %dma_wait3A_144 = tpu.memref_slice %arg6[%dma_wait3A, %mul3A_32] : memref<896x13312xf32, #tpu.memory_space<hbm>> -> memref<1x6656xf32, #tpu.memory_space<hbm>>
        %dma_wait3A_145 = arith.constant 127 : i32
        %dma_wait3A_146 = tpu.memref_slice %arg6[%dma_wait3A_145, %mul3A_32] : memref<896x13312xf32, #tpu.memory_space<hbm>> -> memref<1x6656xf32, #tpu.memory_space<hbm>>
        tpu.wait_dma2 semaphore(%run_scoped3A : memref<!tpu.dma_semaphore, #tpu.memory_space<semaphore_mem>>) src(%dma_wait3A_146 : memref<1x6656xf32, #tpu.memory_space<hbm>>) dst(%arg8 : memref<1x6656xf32, #tpu.memory_space<vmem>>)
        tpu.yield
      }) : () -> ()
    } else {
    }
    %eq3A_56 = arith.constant 5 : i32
    %eq3A_57 = arith.cmpi eq, %select_n3A, %eq3A_56 : i32
    %convert_element_type3A_58 = arith.extui %eq3A_57 : i1 to i32
    %cond3A_59 = arith.constant 0 : i32
    %cond3A_60 = arith.cmpi ne, %convert_element_type3A_58, %cond3A_59 : i32
    scf.if %cond3A_60 {
      "tpu.region"() ({
        %run_scoped3A = tpu.sem_alloc : memref<!tpu.dma_semaphore, #tpu.memory_space<semaphore_mem>>
        %dma_start3A = arith.constant 255 : i32
        %dma_start3A_141 = tpu.memref_slice %arg6[%dma_start3A, %mul3A_32] : memref<896x13312xf32, #tpu.memory_space<hbm>> -> memref<1x6656xf32, #tpu.memory_space<hbm>>
        %dma_start3A_142 = arith.constant 255 : i32
        %dma_start3A_143 = tpu.memref_slice %arg6[%dma_start3A_142, %mul3A_32] : memref<896x13312xf32, #tpu.memory_space<hbm>> -> memref<1x6656xf32, #tpu.memory_space<hbm>>
        tpu.enqueue_dma source(%dma_start3A_143 : memref<1x6656xf32, #tpu.memory_space<hbm>>) target(%arg8 : memref<1x6656xf32, #tpu.memory_space<vmem>>) target_semaphore(%run_scoped3A : memref<!tpu.dma_semaphore, #tpu.memory_space<semaphore_mem>>)
        %dma_wait3A = arith.constant 255 : i32
        %dma_wait3A_144 = tpu.memref_slice %arg6[%dma_wait3A, %mul3A_32] : memref<896x13312xf32, #tpu.memory_space<hbm>> -> memref<1x6656xf32, #tpu.memory_space<hbm>>
        %dma_wait3A_145 = arith.constant 255 : i32
        %dma_wait3A_146 = tpu.memref_slice %arg6[%dma_wait3A_145, %mul3A_32] : memref<896x13312xf32, #tpu.memory_space<hbm>> -> memref<1x6656xf32, #tpu.memory_space<hbm>>
        tpu.wait_dma2 semaphore(%run_scoped3A : memref<!tpu.dma_semaphore, #tpu.memory_space<semaphore_mem>>) src(%dma_wait3A_146 : memref<1x6656xf32, #tpu.memory_space<hbm>>) dst(%arg8 : memref<1x6656xf32, #tpu.memory_space<vmem>>)
        tpu.yield
      }) : () -> ()
    } else {
    }
    %eq3A_61 = arith.constant 6 : i32
    %eq3A_62 = arith.cmpi eq, %select_n3A, %eq3A_61 : i32
    %convert_element_type3A_63 = arith.extui %eq3A_62 : i1 to i32
    %cond3A_64 = arith.constant 0 : i32
    %cond3A_65 = arith.cmpi ne, %convert_element_type3A_63, %cond3A_64 : i32
    scf.if %cond3A_65 {
      "tpu.region"() ({
        %run_scoped3A = tpu.sem_alloc : memref<!tpu.dma_semaphore, #tpu.memory_space<semaphore_mem>>
        %dma_start3A = arith.constant 383 : i32
        %dma_start3A_141 = tpu.memref_slice %arg6[%dma_start3A, %mul3A_32] : memref<896x13312xf32, #tpu.memory_space<hbm>> -> memref<1x6656xf32, #tpu.memory_space<hbm>>
        %dma_start3A_142 = arith.constant 383 : i32
        %dma_start3A_143 = tpu.memref_slice %arg6[%dma_start3A_142, %mul3A_32] : memref<896x13312xf32, #tpu.memory_space<hbm>> -> memref<1x6656xf32, #tpu.memory_space<hbm>>
        tpu.enqueue_dma source(%dma_start3A_143 : memref<1x6656xf32, #tpu.memory_space<hbm>>) target(%arg8 : memref<1x6656xf32, #tpu.memory_space<vmem>>) target_semaphore(%run_scoped3A : memref<!tpu.dma_semaphore, #tpu.memory_space<semaphore_mem>>)
        %dma_wait3A = arith.constant 383 : i32
        %dma_wait3A_144 = tpu.memref_slice %arg6[%dma_wait3A, %mul3A_32] : memref<896x13312xf32, #tpu.memory_space<hbm>> -> memref<1x6656xf32, #tpu.memory_space<hbm>>
        %dma_wait3A_145 = arith.constant 383 : i32
        %dma_wait3A_146 = tpu.memref_slice %arg6[%dma_wait3A_145, %mul3A_32] : memref<896x13312xf32, #tpu.memory_space<hbm>> -> memref<1x6656xf32, #tpu.memory_space<hbm>>
        tpu.wait_dma2 semaphore(%run_scoped3A : memref<!tpu.dma_semaphore, #tpu.memory_space<semaphore_mem>>) src(%dma_wait3A_146 : memref<1x6656xf32, #tpu.memory_space<hbm>>) dst(%arg8 : memref<1x6656xf32, #tpu.memory_space<vmem>>)
        tpu.yield
      }) : () -> ()
    } else {
    }
    %eq3A_66 = arith.constant 7 : i32
    %eq3A_67 = arith.cmpi eq, %select_n3A, %eq3A_66 : i32
    %convert_element_type3A_68 = arith.extui %eq3A_67 : i1 to i32
    %cond3A_69 = arith.constant 0 : i32
    %cond3A_70 = arith.cmpi ne, %convert_element_type3A_68, %cond3A_69 : i32
    scf.if %cond3A_70 {
      "tpu.region"() ({
        %run_scoped3A = tpu.sem_alloc : memref<!tpu.dma_semaphore, #tpu.memory_space<semaphore_mem>>
        %dma_start3A = arith.constant 511 : i32
        %dma_start3A_141 = tpu.memref_slice %arg6[%dma_start3A, %mul3A_32] : memref<896x13312xf32, #tpu.memory_space<hbm>> -> memref<1x6656xf32, #tpu.memory_space<hbm>>
        %dma_start3A_142 = arith.constant 511 : i32
        %dma_start3A_143 = tpu.memref_slice %arg6[%dma_start3A_142, %mul3A_32] : memref<896x13312xf32, #tpu.memory_space<hbm>> -> memref<1x6656xf32, #tpu.memory_space<hbm>>
        tpu.enqueue_dma source(%dma_start3A_143 : memref<1x6656xf32, #tpu.memory_space<hbm>>) target(%arg8 : memref<1x6656xf32, #tpu.memory_space<vmem>>) target_semaphore(%run_scoped3A : memref<!tpu.dma_semaphore, #tpu.memory_space<semaphore_mem>>)
        %dma_wait3A = arith.constant 511 : i32
        %dma_wait3A_144 = tpu.memref_slice %arg6[%dma_wait3A, %mul3A_32] : memref<896x13312xf32, #tpu.memory_space<hbm>> -> memref<1x6656xf32, #tpu.memory_space<hbm>>
        %dma_wait3A_145 = arith.constant 511 : i32
        %dma_wait3A_146 = tpu.memref_slice %arg6[%dma_wait3A_145, %mul3A_32] : memref<896x13312xf32, #tpu.memory_space<hbm>> -> memref<1x6656xf32, #tpu.memory_space<hbm>>
        tpu.wait_dma2 semaphore(%run_scoped3A : memref<!tpu.dma_semaphore, #tpu.memory_space<semaphore_mem>>) src(%dma_wait3A_146 : memref<1x6656xf32, #tpu.memory_space<hbm>>) dst(%arg8 : memref<1x6656xf32, #tpu.memory_space<vmem>>)
        tpu.yield
      }) : () -> ()
    } else {
    }
    %eq3A_71 = arith.constant 8 : i32
    %eq3A_72 = arith.cmpi eq, %select_n3A, %eq3A_71 : i32
    %convert_element_type3A_73 = arith.extui %eq3A_72 : i1 to i32
    %cond3A_74 = arith.constant 0 : i32
    %cond3A_75 = arith.cmpi ne, %convert_element_type3A_73, %cond3A_74 : i32
    scf.if %cond3A_75 {
      "tpu.region"() ({
        %run_scoped3A = tpu.sem_alloc : memref<!tpu.dma_semaphore, #tpu.memory_space<semaphore_mem>>
        %dma_start3A = arith.constant 639 : i32
        %dma_start3A_141 = tpu.memref_slice %arg6[%dma_start3A, %mul3A_32] : memref<896x13312xf32, #tpu.memory_space<hbm>> -> memref<1x6656xf32, #tpu.memory_space<hbm>>
        %dma_start3A_142 = arith.constant 639 : i32
        %dma_start3A_143 = tpu.memref_slice %arg6[%dma_start3A_142, %mul3A_32] : memref<896x13312xf32, #tpu.memory_space<hbm>> -> memref<1x6656xf32, #tpu.memory_space<hbm>>
        tpu.enqueue_dma source(%dma_start3A_143 : memref<1x6656xf32, #tpu.memory_space<hbm>>) target(%arg8 : memref<1x6656xf32, #tpu.memory_space<vmem>>) target_semaphore(%run_scoped3A : memref<!tpu.dma_semaphore, #tpu.memory_space<semaphore_mem>>)
        %dma_wait3A = arith.constant 639 : i32
        %dma_wait3A_144 = tpu.memref_slice %arg6[%dma_wait3A, %mul3A_32] : memref<896x13312xf32, #tpu.memory_space<hbm>> -> memref<1x6656xf32, #tpu.memory_space<hbm>>
        %dma_wait3A_145 = arith.constant 639 : i32
        %dma_wait3A_146 = tpu.memref_slice %arg6[%dma_wait3A_145, %mul3A_32] : memref<896x13312xf32, #tpu.memory_space<hbm>> -> memref<1x6656xf32, #tpu.memory_space<hbm>>
        tpu.wait_dma2 semaphore(%run_scoped3A : memref<!tpu.dma_semaphore, #tpu.memory_space<semaphore_mem>>) src(%dma_wait3A_146 : memref<1x6656xf32, #tpu.memory_space<hbm>>) dst(%arg8 : memref<1x6656xf32, #tpu.memory_space<vmem>>)
        tpu.yield
      }) : () -> ()
    } else {
    }
    %eq3A_76 = arith.constant 9 : i32
    %eq3A_77 = arith.cmpi eq, %select_n3A, %eq3A_76 : i32
    %convert_element_type3A_78 = arith.extui %eq3A_77 : i1 to i32
    %cond3A_79 = arith.constant 0 : i32
    %cond3A_80 = arith.cmpi ne, %convert_element_type3A_78, %cond3A_79 : i32
    scf.if %cond3A_80 {
      "tpu.region"() ({
        %run_scoped3A = tpu.sem_alloc : memref<!tpu.dma_semaphore, #tpu.memory_space<semaphore_mem>>
        %dma_start3A = arith.constant 767 : i32
        %dma_start3A_141 = tpu.memref_slice %arg6[%dma_start3A, %mul3A_32] : memref<896x13312xf32, #tpu.memory_space<hbm>> -> memref<1x6656xf32, #tpu.memory_space<hbm>>
        %dma_start3A_142 = arith.constant 767 : i32
        %dma_start3A_143 = tpu.memref_slice %arg6[%dma_start3A_142, %mul3A_32] : memref<896x13312xf32, #tpu.memory_space<hbm>> -> memref<1x6656xf32, #tpu.memory_space<hbm>>
        tpu.enqueue_dma source(%dma_start3A_143 : memref<1x6656xf32, #tpu.memory_space<hbm>>) target(%arg8 : memref<1x6656xf32, #tpu.memory_space<vmem>>) target_semaphore(%run_scoped3A : memref<!tpu.dma_semaphore, #tpu.memory_space<semaphore_mem>>)
        %dma_wait3A = arith.constant 767 : i32
        %dma_wait3A_144 = tpu.memref_slice %arg6[%dma_wait3A, %mul3A_32] : memref<896x13312xf32, #tpu.memory_space<hbm>> -> memref<1x6656xf32, #tpu.memory_space<hbm>>
        %dma_wait3A_145 = arith.constant 767 : i32
        %dma_wait3A_146 = tpu.memref_slice %arg6[%dma_wait3A_145, %mul3A_32] : memref<896x13312xf32, #tpu.memory_space<hbm>> -> memref<1x6656xf32, #tpu.memory_space<hbm>>
        tpu.wait_dma2 semaphore(%run_scoped3A : memref<!tpu.dma_semaphore, #tpu.memory_space<semaphore_mem>>) src(%dma_wait3A_146 : memref<1x6656xf32, #tpu.memory_space<hbm>>) dst(%arg8 : memref<1x6656xf32, #tpu.memory_space<vmem>>)
        tpu.yield
      }) : () -> ()
    } else {
    }
    %eq3A_81 = arith.constant 10 : i32
    %eq3A_82 = arith.cmpi eq, %select_n3A, %eq3A_81 : i32
    %convert_element_type3A_83 = arith.extui %eq3A_82 : i1 to i32
    %cond3A_84 = arith.constant 0 : i32
    %cond3A_85 = arith.cmpi ne, %convert_element_type3A_83, %cond3A_84 : i32
    scf.if %cond3A_85 {
      "tpu.region"() ({
        %run_scoped3A = tpu.sem_alloc : memref<!tpu.dma_semaphore, #tpu.memory_space<semaphore_mem>>
        %dma_start3A = arith.constant 895 : i32
        %dma_start3A_141 = tpu.memref_slice %arg6[%dma_start3A, %mul3A_32] : memref<896x13312xf32, #tpu.memory_space<hbm>> -> memref<1x6656xf32, #tpu.memory_space<hbm>>
        %dma_start3A_142 = arith.constant 895 : i32
        %dma_start3A_143 = tpu.memref_slice %arg6[%dma_start3A_142, %mul3A_32] : memref<896x13312xf32, #tpu.memory_space<hbm>> -> memref<1x6656xf32, #tpu.memory_space<hbm>>
        tpu.enqueue_dma source(%dma_start3A_143 : memref<1x6656xf32, #tpu.memory_space<hbm>>) target(%arg8 : memref<1x6656xf32, #tpu.memory_space<vmem>>) target_semaphore(%run_scoped3A : memref<!tpu.dma_semaphore, #tpu.memory_space<semaphore_mem>>)
        %dma_wait3A = arith.constant 895 : i32
        %dma_wait3A_144 = tpu.memref_slice %arg6[%dma_wait3A, %mul3A_32] : memref<896x13312xf32, #tpu.memory_space<hbm>> -> memref<1x6656xf32, #tpu.memory_space<hbm>>
        %dma_wait3A_145 = arith.constant 895 : i32
        %dma_wait3A_146 = tpu.memref_slice %arg6[%dma_wait3A_145, %mul3A_32] : memref<896x13312xf32, #tpu.memory_space<hbm>> -> memref<1x6656xf32, #tpu.memory_space<hbm>>
        tpu.wait_dma2 semaphore(%run_scoped3A : memref<!tpu.dma_semaphore, #tpu.memory_space<semaphore_mem>>) src(%dma_wait3A_146 : memref<1x6656xf32, #tpu.memory_space<hbm>>) dst(%arg8 : memref<1x6656xf32, #tpu.memory_space<vmem>>)
        tpu.yield
      }) : () -> ()
    } else {
    }
    %eq3A_86 = arith.constant 0 : i32
    %eq3A_87 = arith.cmpi eq, %select_n3A, %eq3A_86 : i32
    %convert_element_type3A_88 = arith.extui %eq3A_87 : i1 to i32
    %cond3A_89 = arith.constant 0 : i32
    %cond3A_90 = arith.cmpi ne, %convert_element_type3A_88, %cond3A_89 : i32
    scf.if %cond3A_90 {
      "tpu.region"() ({
        %run_scoped3A = tpu.sem_alloc : memref<!tpu.dma_semaphore, #tpu.memory_space<semaphore_mem>>
        %dma_start3A = arith.constant 0 : i32
        %dma_start3A_141 = tpu.memref_slice %arg7[%dma_start3A, %mul3A_32] : memref<16x13312xf32, #tpu.memory_space<hbm>> -> memref<1x6656xf32, #tpu.memory_space<hbm>>
        %dma_start3A_142 = arith.constant 0 : i32
        %dma_start3A_143 = tpu.memref_slice %arg7[%dma_start3A_142, %mul3A_32] : memref<16x13312xf32, #tpu.memory_space<hbm>> -> memref<1x6656xf32, #tpu.memory_space<hbm>>
        tpu.enqueue_dma source(%arg8 : memref<1x6656xf32, #tpu.memory_space<vmem>>) target(%dma_start3A_143 : memref<1x6656xf32, #tpu.memory_space<hbm>>) target_semaphore(%run_scoped3A : memref<!tpu.dma_semaphore, #tpu.memory_space<semaphore_mem>>)
        %dma_wait3A = arith.constant 0 : i32
        %dma_wait3A_144 = tpu.memref_slice %arg7[%dma_wait3A, %mul3A_32] : memref<16x13312xf32, #tpu.memory_space<hbm>> -> memref<1x6656xf32, #tpu.memory_space<hbm>>
        %dma_wait3A_145 = arith.constant 0 : i32
        %dma_wait3A_146 = tpu.memref_slice %arg7[%dma_wait3A_145, %mul3A_32] : memref<16x13312xf32, #tpu.memory_space<hbm>> -> memref<1x6656xf32, #tpu.memory_space<hbm>>
        tpu.wait_dma2 semaphore(%run_scoped3A : memref<!tpu.dma_semaphore, #tpu.memory_space<semaphore_mem>>) src(%arg8 : memref<1x6656xf32, #tpu.memory_space<vmem>>) dst(%dma_wait3A_146 : memref<1x6656xf32, #tpu.memory_space<hbm>>)
        tpu.yield
      }) : () -> ()
    } else {
    }
    %eq3A_91 = arith.constant 1 : i32
    %eq3A_92 = arith.cmpi eq, %select_n3A, %eq3A_91 : i32
    %convert_element_type3A_93 = arith.extui %eq3A_92 : i1 to i32
    %cond3A_94 = arith.constant 0 : i32
    %cond3A_95 = arith.cmpi ne, %convert_element_type3A_93, %cond3A_94 : i32
    scf.if %cond3A_95 {
      "tpu.region"() ({
        %run_scoped3A = tpu.sem_alloc : memref<!tpu.dma_semaphore, #tpu.memory_space<semaphore_mem>>
        %dma_start3A = arith.constant 1 : i32
        %dma_start3A_141 = tpu.memref_slice %arg7[%dma_start3A, %mul3A_32] : memref<16x13312xf32, #tpu.memory_space<hbm>> -> memref<1x6656xf32, #tpu.memory_space<hbm>>
        %dma_start3A_142 = arith.constant 1 : i32
        %dma_start3A_143 = tpu.memref_slice %arg7[%dma_start3A_142, %mul3A_32] : memref<16x13312xf32, #tpu.memory_space<hbm>> -> memref<1x6656xf32, #tpu.memory_space<hbm>>
        tpu.enqueue_dma source(%arg8 : memref<1x6656xf32, #tpu.memory_space<vmem>>) target(%dma_start3A_143 : memref<1x6656xf32, #tpu.memory_space<hbm>>) target_semaphore(%run_scoped3A : memref<!tpu.dma_semaphore, #tpu.memory_space<semaphore_mem>>)
        %dma_wait3A = arith.constant 1 : i32
        %dma_wait3A_144 = tpu.memref_slice %arg7[%dma_wait3A, %mul3A_32] : memref<16x13312xf32, #tpu.memory_space<hbm>> -> memref<1x6656xf32, #tpu.memory_space<hbm>>
        %dma_wait3A_145 = arith.constant 1 : i32
        %dma_wait3A_146 = tpu.memref_slice %arg7[%dma_wait3A_145, %mul3A_32] : memref<16x13312xf32, #tpu.memory_space<hbm>> -> memref<1x6656xf32, #tpu.memory_space<hbm>>
        tpu.wait_dma2 semaphore(%run_scoped3A : memref<!tpu.dma_semaphore, #tpu.memory_space<semaphore_mem>>) src(%arg8 : memref<1x6656xf32, #tpu.memory_space<vmem>>) dst(%dma_wait3A_146 : memref<1x6656xf32, #tpu.memory_space<hbm>>)
        tpu.yield
      }) : () -> ()
    } else {
    }
    %eq3A_96 = arith.constant 2 : i32
    %eq3A_97 = arith.cmpi eq, %select_n3A, %eq3A_96 : i32
    %convert_element_type3A_98 = arith.extui %eq3A_97 : i1 to i32
    %cond3A_99 = arith.constant 0 : i32
    %cond3A_100 = arith.cmpi ne, %convert_element_type3A_98, %cond3A_99 : i32
    scf.if %cond3A_100 {
      "tpu.region"() ({
        %run_scoped3A = tpu.sem_alloc : memref<!tpu.dma_semaphore, #tpu.memory_space<semaphore_mem>>
        %dma_start3A = arith.constant 2 : i32
        %dma_start3A_141 = tpu.memref_slice %arg7[%dma_start3A, %mul3A_32] : memref<16x13312xf32, #tpu.memory_space<hbm>> -> memref<1x6656xf32, #tpu.memory_space<hbm>>
        %dma_start3A_142 = arith.constant 2 : i32
        %dma_start3A_143 = tpu.memref_slice %arg7[%dma_start3A_142, %mul3A_32] : memref<16x13312xf32, #tpu.memory_space<hbm>> -> memref<1x6656xf32, #tpu.memory_space<hbm>>
        tpu.enqueue_dma source(%arg8 : memref<1x6656xf32, #tpu.memory_space<vmem>>) target(%dma_start3A_143 : memref<1x6656xf32, #tpu.memory_space<hbm>>) target_semaphore(%run_scoped3A : memref<!tpu.dma_semaphore, #tpu.memory_space<semaphore_mem>>)
        %dma_wait3A = arith.constant 2 : i32
        %dma_wait3A_144 = tpu.memref_slice %arg7[%dma_wait3A, %mul3A_32] : memref<16x13312xf32, #tpu.memory_space<hbm>> -> memref<1x6656xf32, #tpu.memory_space<hbm>>
        %dma_wait3A_145 = arith.constant 2 : i32
        %dma_wait3A_146 = tpu.memref_slice %arg7[%dma_wait3A_145, %mul3A_32] : memref<16x13312xf32, #tpu.memory_space<hbm>> -> memref<1x6656xf32, #tpu.memory_space<hbm>>
        tpu.wait_dma2 semaphore(%run_scoped3A : memref<!tpu.dma_semaphore, #tpu.memory_space<semaphore_mem>>) src(%arg8 : memref<1x6656xf32, #tpu.memory_space<vmem>>) dst(%dma_wait3A_146 : memref<1x6656xf32, #tpu.memory_space<hbm>>)
        tpu.yield
      }) : () -> ()
    } else {
    }
    %eq3A_101 = arith.constant 3 : i32
    %eq3A_102 = arith.cmpi eq, %select_n3A, %eq3A_101 : i32
    %convert_element_type3A_103 = arith.extui %eq3A_102 : i1 to i32
    %cond3A_104 = arith.constant 0 : i32
    %cond3A_105 = arith.cmpi ne, %convert_element_type3A_103, %cond3A_104 : i32
    scf.if %cond3A_105 {
      "tpu.region"() ({
        %run_scoped3A = tpu.sem_alloc : memref<!tpu.dma_semaphore, #tpu.memory_space<semaphore_mem>>
        %dma_start3A = arith.constant 3 : i32
        %dma_start3A_141 = tpu.memref_slice %arg7[%dma_start3A, %mul3A_32] : memref<16x13312xf32, #tpu.memory_space<hbm>> -> memref<1x6656xf32, #tpu.memory_space<hbm>>
        %dma_start3A_142 = arith.constant 3 : i32
        %dma_start3A_143 = tpu.memref_slice %arg7[%dma_start3A_142, %mul3A_32] : memref<16x13312xf32, #tpu.memory_space<hbm>> -> memref<1x6656xf32, #tpu.memory_space<hbm>>
        tpu.enqueue_dma source(%arg8 : memref<1x6656xf32, #tpu.memory_space<vmem>>) target(%dma_start3A_143 : memref<1x6656xf32, #tpu.memory_space<hbm>>) target_semaphore(%run_scoped3A : memref<!tpu.dma_semaphore, #tpu.memory_space<semaphore_mem>>)
        %dma_wait3A = arith.constant 3 : i32
        %dma_wait3A_144 = tpu.memref_slice %arg7[%dma_wait3A, %mul3A_32] : memref<16x13312xf32, #tpu.memory_space<hbm>> -> memref<1x6656xf32, #tpu.memory_space<hbm>>
        %dma_wait3A_145 = arith.constant 3 : i32
        %dma_wait3A_146 = tpu.memref_slice %arg7[%dma_wait3A_145, %mul3A_32] : memref<16x13312xf32, #tpu.memory_space<hbm>> -> memref<1x6656xf32, #tpu.memory_space<hbm>>
        tpu.wait_dma2 semaphore(%run_scoped3A : memref<!tpu.dma_semaphore, #tpu.memory_space<semaphore_mem>>) src(%arg8 : memref<1x6656xf32, #tpu.memory_space<vmem>>) dst(%dma_wait3A_146 : memref<1x6656xf32, #tpu.memory_space<hbm>>)
        tpu.yield
      }) : () -> ()
    } else {
    }
    %eq3A_106 = arith.constant 4 : i32
    %eq3A_107 = arith.cmpi eq, %select_n3A, %eq3A_106 : i32
    %convert_element_type3A_108 = arith.extui %eq3A_107 : i1 to i32
    %cond3A_109 = arith.constant 0 : i32
    %cond3A_110 = arith.cmpi ne, %convert_element_type3A_108, %cond3A_109 : i32
    scf.if %cond3A_110 {
      "tpu.region"() ({
        %run_scoped3A = tpu.sem_alloc : memref<!tpu.dma_semaphore, #tpu.memory_space<semaphore_mem>>
        %dma_start3A = arith.constant 4 : i32
        %dma_start3A_141 = tpu.memref_slice %arg7[%dma_start3A, %mul3A_32] : memref<16x13312xf32, #tpu.memory_space<hbm>> -> memref<1x6656xf32, #tpu.memory_space<hbm>>
        %dma_start3A_142 = arith.constant 4 : i32
        %dma_start3A_143 = tpu.memref_slice %arg7[%dma_start3A_142, %mul3A_32] : memref<16x13312xf32, #tpu.memory_space<hbm>> -> memref<1x6656xf32, #tpu.memory_space<hbm>>
        tpu.enqueue_dma source(%arg8 : memref<1x6656xf32, #tpu.memory_space<vmem>>) target(%dma_start3A_143 : memref<1x6656xf32, #tpu.memory_space<hbm>>) target_semaphore(%run_scoped3A : memref<!tpu.dma_semaphore, #tpu.memory_space<semaphore_mem>>)
        %dma_wait3A = arith.constant 4 : i32
        %dma_wait3A_144 = tpu.memref_slice %arg7[%dma_wait3A, %mul3A_32] : memref<16x13312xf32, #tpu.memory_space<hbm>> -> memref<1x6656xf32, #tpu.memory_space<hbm>>
        %dma_wait3A_145 = arith.constant 4 : i32
        %dma_wait3A_146 = tpu.memref_slice %arg7[%dma_wait3A_145, %mul3A_32] : memref<16x13312xf32, #tpu.memory_space<hbm>> -> memref<1x6656xf32, #tpu.memory_space<hbm>>
        tpu.wait_dma2 semaphore(%run_scoped3A : memref<!tpu.dma_semaphore, #tpu.memory_space<semaphore_mem>>) src(%arg8 : memref<1x6656xf32, #tpu.memory_space<vmem>>) dst(%dma_wait3A_146 : memref<1x6656xf32, #tpu.memory_space<hbm>>)
        tpu.yield
      }) : () -> ()
    } else {
    }
    %eq3A_111 = arith.constant 5 : i32
    %eq3A_112 = arith.cmpi eq, %select_n3A, %eq3A_111 : i32
    %convert_element_type3A_113 = arith.extui %eq3A_112 : i1 to i32
    %cond3A_114 = arith.constant 0 : i32
    %cond3A_115 = arith.cmpi ne, %convert_element_type3A_113, %cond3A_114 : i32
    scf.if %cond3A_115 {
      "tpu.region"() ({
        %run_scoped3A = tpu.sem_alloc : memref<!tpu.dma_semaphore, #tpu.memory_space<semaphore_mem>>
        %dma_start3A = arith.constant 5 : i32
        %dma_start3A_141 = tpu.memref_slice %arg7[%dma_start3A, %mul3A_32] : memref<16x13312xf32, #tpu.memory_space<hbm>> -> memref<1x6656xf32, #tpu.memory_space<hbm>>
        %dma_start3A_142 = arith.constant 5 : i32
        %dma_start3A_143 = tpu.memref_slice %arg7[%dma_start3A_142, %mul3A_32] : memref<16x13312xf32, #tpu.memory_space<hbm>> -> memref<1x6656xf32, #tpu.memory_space<hbm>>
        tpu.enqueue_dma source(%arg8 : memref<1x6656xf32, #tpu.memory_space<vmem>>) target(%dma_start3A_143 : memref<1x6656xf32, #tpu.memory_space<hbm>>) target_semaphore(%run_scoped3A : memref<!tpu.dma_semaphore, #tpu.memory_space<semaphore_mem>>)
        %dma_wait3A = arith.constant 5 : i32
        %dma_wait3A_144 = tpu.memref_slice %arg7[%dma_wait3A, %mul3A_32] : memref<16x13312xf32, #tpu.memory_space<hbm>> -> memref<1x6656xf32, #tpu.memory_space<hbm>>
        %dma_wait3A_145 = arith.constant 5 : i32
        %dma_wait3A_146 = tpu.memref_slice %arg7[%dma_wait3A_145, %mul3A_32] : memref<16x13312xf32, #tpu.memory_space<hbm>> -> memref<1x6656xf32, #tpu.memory_space<hbm>>
        tpu.wait_dma2 semaphore(%run_scoped3A : memref<!tpu.dma_semaphore, #tpu.memory_space<semaphore_mem>>) src(%arg8 : memref<1x6656xf32, #tpu.memory_space<vmem>>) dst(%dma_wait3A_146 : memref<1x6656xf32, #tpu.memory_space<hbm>>)
        tpu.yield
      }) : () -> ()
    } else {
    }
    %eq3A_116 = arith.constant 6 : i32
    %eq3A_117 = arith.cmpi eq, %select_n3A, %eq3A_116 : i32
    %convert_element_type3A_118 = arith.extui %eq3A_117 : i1 to i32
    %cond3A_119 = arith.constant 0 : i32
    %cond3A_120 = arith.cmpi ne, %convert_element_type3A_118, %cond3A_119 : i32
    scf.if %cond3A_120 {
      "tpu.region"() ({
        %run_scoped3A = tpu.sem_alloc : memref<!tpu.dma_semaphore, #tpu.memory_space<semaphore_mem>>
        %dma_start3A = arith.constant 6 : i32
        %dma_start3A_141 = tpu.memref_slice %arg7[%dma_start3A, %mul3A_32] : memref<16x13312xf32, #tpu.memory_space<hbm>> -> memref<1x6656xf32, #tpu.memory_space<hbm>>
        %dma_start3A_142 = arith.constant 6 : i32
        %dma_start3A_143 = tpu.memref_slice %arg7[%dma_start3A_142, %mul3A_32] : memref<16x13312xf32, #tpu.memory_space<hbm>> -> memref<1x6656xf32, #tpu.memory_space<hbm>>
        tpu.enqueue_dma source(%arg8 : memref<1x6656xf32, #tpu.memory_space<vmem>>) target(%dma_start3A_143 : memref<1x6656xf32, #tpu.memory_space<hbm>>) target_semaphore(%run_scoped3A : memref<!tpu.dma_semaphore, #tpu.memory_space<semaphore_mem>>)
        %dma_wait3A = arith.constant 6 : i32
        %dma_wait3A_144 = tpu.memref_slice %arg7[%dma_wait3A, %mul3A_32] : memref<16x13312xf32, #tpu.memory_space<hbm>> -> memref<1x6656xf32, #tpu.memory_space<hbm>>
        %dma_wait3A_145 = arith.constant 6 : i32
        %dma_wait3A_146 = tpu.memref_slice %arg7[%dma_wait3A_145, %mul3A_32] : memref<16x13312xf32, #tpu.memory_space<hbm>> -> memref<1x6656xf32, #tpu.memory_space<hbm>>
        tpu.wait_dma2 semaphore(%run_scoped3A : memref<!tpu.dma_semaphore, #tpu.memory_space<semaphore_mem>>) src(%arg8 : memref<1x6656xf32, #tpu.memory_space<vmem>>) dst(%dma_wait3A_146 : memref<1x6656xf32, #tpu.memory_space<hbm>>)
        tpu.yield
      }) : () -> ()
    } else {
    }
    %eq3A_121 = arith.constant 7 : i32
    %eq3A_122 = arith.cmpi eq, %select_n3A, %eq3A_121 : i32
    %convert_element_type3A_123 = arith.extui %eq3A_122 : i1 to i32
    %cond3A_124 = arith.constant 0 : i32
    %cond3A_125 = arith.cmpi ne, %convert_element_type3A_123, %cond3A_124 : i32
    scf.if %cond3A_125 {
      "tpu.region"() ({
        %run_scoped3A = tpu.sem_alloc : memref<!tpu.dma_semaphore, #tpu.memory_space<semaphore_mem>>
        %dma_start3A = arith.constant 7 : i32
        %dma_start3A_141 = tpu.memref_slice %arg7[%dma_start3A, %mul3A_32] : memref<16x13312xf32, #tpu.memory_space<hbm>> -> memref<1x6656xf32, #tpu.memory_space<hbm>>
        %dma_start3A_142 = arith.constant 7 : i32
        %dma_start3A_143 = tpu.memref_slice %arg7[%dma_start3A_142, %mul3A_32] : memref<16x13312xf32, #tpu.memory_space<hbm>> -> memref<1x6656xf32, #tpu.memory_space<hbm>>
        tpu.enqueue_dma source(%arg8 : memref<1x6656xf32, #tpu.memory_space<vmem>>) target(%dma_start3A_143 : memref<1x6656xf32, #tpu.memory_space<hbm>>) target_semaphore(%run_scoped3A : memref<!tpu.dma_semaphore, #tpu.memory_space<semaphore_mem>>)
        %dma_wait3A = arith.constant 7 : i32
        %dma_wait3A_144 = tpu.memref_slice %arg7[%dma_wait3A, %mul3A_32] : memref<16x13312xf32, #tpu.memory_space<hbm>> -> memref<1x6656xf32, #tpu.memory_space<hbm>>
        %dma_wait3A_145 = arith.constant 7 : i32
        %dma_wait3A_146 = tpu.memref_slice %arg7[%dma_wait3A_145, %mul3A_32] : memref<16x13312xf32, #tpu.memory_space<hbm>> -> memref<1x6656xf32, #tpu.memory_space<hbm>>
        tpu.wait_dma2 semaphore(%run_scoped3A : memref<!tpu.dma_semaphore, #tpu.memory_space<semaphore_mem>>) src(%arg8 : memref<1x6656xf32, #tpu.memory_space<vmem>>) dst(%dma_wait3A_146 : memref<1x6656xf32, #tpu.memory_space<hbm>>)
        tpu.yield
      }) : () -> ()
    } else {
    }
    %eq3A_126 = arith.constant 8 : i32
    %eq3A_127 = arith.cmpi eq, %select_n3A, %eq3A_126 : i32
    %convert_element_type3A_128 = arith.extui %eq3A_127 : i1 to i32
    %cond3A_129 = arith.constant 0 : i32
    %cond3A_130 = arith.cmpi ne, %convert_element_type3A_128, %cond3A_129 : i32
    scf.if %cond3A_130 {
      "tpu.region"() ({
        %run_scoped3A = tpu.sem_alloc : memref<!tpu.dma_semaphore, #tpu.memory_space<semaphore_mem>>
        %dma_start3A = arith.constant 8 : i32
        %dma_start3A_141 = tpu.memref_slice %arg7[%dma_start3A, %mul3A_32] : memref<16x13312xf32, #tpu.memory_space<hbm>> -> memref<1x6656xf32, #tpu.memory_space<hbm>>
        %dma_start3A_142 = arith.constant 8 : i32
        %dma_start3A_143 = tpu.memref_slice %arg7[%dma_start3A_142, %mul3A_32] : memref<16x13312xf32, #tpu.memory_space<hbm>> -> memref<1x6656xf32, #tpu.memory_space<hbm>>
        tpu.enqueue_dma source(%arg8 : memref<1x6656xf32, #tpu.memory_space<vmem>>) target(%dma_start3A_143 : memref<1x6656xf32, #tpu.memory_space<hbm>>) target_semaphore(%run_scoped3A : memref<!tpu.dma_semaphore, #tpu.memory_space<semaphore_mem>>)
        %dma_wait3A = arith.constant 8 : i32
        %dma_wait3A_144 = tpu.memref_slice %arg7[%dma_wait3A, %mul3A_32] : memref<16x13312xf32, #tpu.memory_space<hbm>> -> memref<1x6656xf32, #tpu.memory_space<hbm>>
        %dma_wait3A_145 = arith.constant 8 : i32
        %dma_wait3A_146 = tpu.memref_slice %arg7[%dma_wait3A_145, %mul3A_32] : memref<16x13312xf32, #tpu.memory_space<hbm>> -> memref<1x6656xf32, #tpu.memory_space<hbm>>
        tpu.wait_dma2 semaphore(%run_scoped3A : memref<!tpu.dma_semaphore, #tpu.memory_space<semaphore_mem>>) src(%arg8 : memref<1x6656xf32, #tpu.memory_space<vmem>>) dst(%dma_wait3A_146 : memref<1x6656xf32, #tpu.memory_space<hbm>>)
        tpu.yield
      }) : () -> ()
    } else {
    }
    %eq3A_131 = arith.constant 9 : i32
    %eq3A_132 = arith.cmpi eq, %select_n3A, %eq3A_131 : i32
    %convert_element_type3A_133 = arith.extui %eq3A_132 : i1 to i32
    %cond3A_134 = arith.constant 0 : i32
    %cond3A_135 = arith.cmpi ne, %convert_element_type3A_133, %cond3A_134 : i32
    scf.if %cond3A_135 {
      "tpu.region"() ({
        %run_scoped3A = tpu.sem_alloc : memref<!tpu.dma_semaphore, #tpu.memory_space<semaphore_mem>>
        %dma_start3A = arith.constant 9 : i32
        %dma_start3A_141 = tpu.memref_slice %arg7[%dma_start3A, %mul3A_32] : memref<16x13312xf32, #tpu.memory_space<hbm>> -> memref<1x6656xf32, #tpu.memory_space<hbm>>
        %dma_start3A_142 = arith.constant 9 : i32
        %dma_start3A_143 = tpu.memref_slice %arg7[%dma_start3A_142, %mul3A_32] : memref<16x13312xf32, #tpu.memory_space<hbm>> -> memref<1x6656xf32, #tpu.memory_space<hbm>>
        tpu.enqueue_dma source(%arg8 : memref<1x6656xf32, #tpu.memory_space<vmem>>) target(%dma_start3A_143 : memref<1x6656xf32, #tpu.memory_space<hbm>>) target_semaphore(%run_scoped3A : memref<!tpu.dma_semaphore, #tpu.memory_space<semaphore_mem>>)
        %dma_wait3A = arith.constant 9 : i32
        %dma_wait3A_144 = tpu.memref_slice %arg7[%dma_wait3A, %mul3A_32] : memref<16x13312xf32, #tpu.memory_space<hbm>> -> memref<1x6656xf32, #tpu.memory_space<hbm>>
        %dma_wait3A_145 = arith.constant 9 : i32
        %dma_wait3A_146 = tpu.memref_slice %arg7[%dma_wait3A_145, %mul3A_32] : memref<16x13312xf32, #tpu.memory_space<hbm>> -> memref<1x6656xf32, #tpu.memory_space<hbm>>
        tpu.wait_dma2 semaphore(%run_scoped3A : memref<!tpu.dma_semaphore, #tpu.memory_space<semaphore_mem>>) src(%arg8 : memref<1x6656xf32, #tpu.memory_space<vmem>>) dst(%dma_wait3A_146 : memref<1x6656xf32, #tpu.memory_space<hbm>>)
        tpu.yield
      }) : () -> ()
    } else {
    }
    %eq3A_136 = arith.constant 10 : i32
    %eq3A_137 = arith.cmpi eq, %select_n3A, %eq3A_136 : i32
    %convert_element_type3A_138 = arith.extui %eq3A_137 : i1 to i32
    %cond3A_139 = arith.constant 0 : i32
    %cond3A_140 = arith.cmpi ne, %convert_element_type3A_138, %cond3A_139 : i32
    scf.if %cond3A_140 {
      "tpu.region"() ({
        %run_scoped3A = tpu.sem_alloc : memref<!tpu.dma_semaphore, #tpu.memory_space<semaphore_mem>>
        %dma_start3A = arith.constant 10 : i32
        %dma_start3A_141 = tpu.memref_slice %arg7[%dma_start3A, %mul3A_32] : memref<16x13312xf32, #tpu.memory_space<hbm>> -> memref<1x6656xf32, #tpu.memory_space<hbm>>
        %dma_start3A_142 = arith.constant 10 : i32
        %dma_start3A_143 = tpu.memref_slice %arg7[%dma_start3A_142, %mul3A_32] : memref<16x13312xf32, #tpu.memory_space<hbm>> -> memref<1x6656xf32, #tpu.memory_space<hbm>>
        tpu.enqueue_dma source(%arg8 : memref<1x6656xf32, #tpu.memory_space<vmem>>) target(%dma_start3A_143 : memref<1x6656xf32, #tpu.memory_space<hbm>>) target_semaphore(%run_scoped3A : memref<!tpu.dma_semaphore, #tpu.memory_space<semaphore_mem>>)
        %dma_wait3A = arith.constant 10 : i32
        %dma_wait3A_144 = tpu.memref_slice %arg7[%dma_wait3A, %mul3A_32] : memref<16x13312xf32, #tpu.memory_space<hbm>> -> memref<1x6656xf32, #tpu.memory_space<hbm>>
        %dma_wait3A_145 = arith.constant 10 : i32
        %dma_wait3A_146 = tpu.memref_slice %arg7[%dma_wait3A_145, %mul3A_32] : memref<16x13312xf32, #tpu.memory_space<hbm>> -> memref<1x6656xf32, #tpu.memory_space<hbm>>
        tpu.wait_dma2 semaphore(%run_scoped3A : memref<!tpu.dma_semaphore, #tpu.memory_space<semaphore_mem>>) src(%arg8 : memref<1x6656xf32, #tpu.memory_space<vmem>>) dst(%dma_wait3A_146 : memref<1x6656xf32, #tpu.memory_space<hbm>>)
        tpu.yield
      }) : () -> ()
    } else {
    }
    return
  }
}

module attributes {stable_mosaic.version = 14 : i64} {
  func.func @_tc_mul_body(%arg0: i32, %arg1: memref<16x13312xf32, #tpu.memory_space<vmem>>, %arg2: memref<1x13312xf32, #tpu.memory_space<vmem>>, %arg3: memref<11x13312xf32, #tpu.memory_space<vmem>>) attributes {dimension_semantics = [#tpu.dimension_semantics<arbitrary>], iteration_bounds = array<i64: 1>, scalar_prefetch = 0 : i64, scratch_operands = 0 : i64, tpu.core_type = #tpu.core_type<tc>, window_params = [{pipeline_mode = #tpu.pipeline_mode<synchronous>, transform_indices = @transform_0, window_bounds = array<i64: 16, 13312>}, {pipeline_mode = #tpu.pipeline_mode<synchronous>, transform_indices = @transform_1, window_bounds = array<i64: 1, 13312>}, {pipeline_mode = #tpu.pipeline_mode<synchronous>, transform_indices = @transform_2, window_bounds = array<i64: 11, 13312>}]} {
    %get3A = arith.constant 0 : index
    %get3A_0 = arith.constant 0 : index
    %get3A_1 = vector.load %arg1[%get3A, %get3A_0] : memref<16x13312xf32, #tpu.memory_space<vmem>>, vector<11x13312xf32>
    %get3A_2 = arith.constant 0 : index
    %get3A_3 = arith.constant 0 : index
    %get3A_4 = vector.load %arg2[%get3A_2, %get3A_3] : memref<1x13312xf32, #tpu.memory_space<vmem>>, vector<1x13312xf32>
    %mul3A = vector.broadcast %get3A_4 : vector<1x13312xf32> to vector<11x13312xf32>
    %mul3A_5 = arith.mulf %get3A_1, %mul3A : vector<11x13312xf32>
    %swap3A = arith.constant 0 : index
    %swap3A_6 = arith.constant 0 : index
    %swap3A_7 = vector.load %arg3[%swap3A, %swap3A_6] : memref<11x13312xf32, #tpu.memory_space<vmem>>, vector<11x13312xf32>
    tpu.vector_store %arg3[%swap3A, %swap3A_6], %mul3A_5 {strides = array<i32>} : memref<11x13312xf32, #tpu.memory_space<vmem>>, vector<11x13312xf32>,
    return
  }
  func.func @transform_0(%arg0: i32) -> (i32, i32) {
    %c0_i32 = arith.constant 0 : i32
    %c0_i32_0 = arith.constant 0 : i32
    %c0_i32_1 = arith.constant 0 : i32
    return %c0_i32, %c0_i32_0 : i32, i32
  }
  func.func @transform_1(%arg0: i32) -> (i32, i32) {
    %c0_i32 = arith.constant 0 : i32
    %c0_i32_0 = arith.constant 0 : i32
    %c0_i32_1 = arith.constant 0 : i32
    return %c0_i32, %c0_i32_0 : i32, i32
  }
  func.func @transform_2(%arg0: i32) -> (i32, i32) {
    %c0_i32 = arith.constant 0 : i32
    %c0_i32_0 = arith.constant 0 : i32
    %c0_i32_1 = arith.constant 0 : i32
    return %c0_i32, %c0_i32_0 : i32, i32
  }
}

</mosaic_0001>

<sc_bundles>
// kernel: kernel.4.cloned.1.call-start
scs
__scs_entry_jumppad:
0x0: {  	(pc) =	sbr.rel $0x88, $3  }
0x1: {  	(tag) =	ssettag $0x0;
	lr =	simm.s32 $0x1  }
0x2: {  	[smem:$0x3F9C] =	sst lr;
	_ =	strace $0xD0000000  }
0x3: {  	_ = 	snop  }
0x4: {  	_ = 	snop  }
0x5: {  	_ = 	snop  }
0x6: {  	_ = 	snop  }
0x7: {  	_ = 	snop  }
__scs_overlays_trampoline_lowered:
0x8: {  	[smem:$0x3FAB] =	sst s0  }
0x9: {  	[smem:$0x3FAC] =	sst s1  }
0xa: {  	[smem:$0x3FAD] =	sst s2  }
0xb: {  	[smem:$0x3FAE] =	sst s3  }
0xc: {  	[smem:$0x3FAF] =	sst s4  }
0xd: {  	[smem:$0x3FB0] =	sst s5  }
0xe: {  	[smem:$0x3FB1] =	sst s6  }
0xf: {  	[smem:$0x3FB2] =	sst s7  }
0x10: {  	[smem:$0x3FB3] =	sst s8  }
0x11: {  	[smem:$0x3FB4] =	sst s9;
	s0 =	simm.s32 @!p0 $0x0  }
0x12: {  	s1 =	sld [smem:$0x3F9A];
	s0 =	simm.s32 @p0 $0x1  }
0x13: {  	[smem:$0x3FB5] =	sst s0;
	s0 =	simm.s32 @!p1 $0x0  }
0x14: {  	s2 =	sld [smem:$0x3F99];
	s0 =	simm.s32 @p1 $0x1  }
0x15: {  	[smem:$0x3FB6] =	sst s0;
	s0 =	simm.s32 @!p2 $0x0  }
0x16: {  	s3 =	sld [smem:$0x3FDB];
	s0 =	simm.s32 @p2 $0x1  }
0x17: {  	s4 =	simm.s32 $0x1BF5;
	[smem:$0x3FB8] =	sst s0  }
0x18: {  	s0 =	sld [smem:$0x3F9B];
	_ =	swait.ge [sflag:s4], $0x0  }
0x19: {  	s7 =	sld [smem:$0x3F9C]  }
0x1a: {  	s8 =	sadd.s32 $0xFFFFE003, lr  }
0x1b: {  	s9 =	sadd.s32 $0xFFFFFEF7, lr;
	s5 =	simm.s32 $0xFFFFFFFF;
	p2 =	slt.u32 s8, $0xFFFFF086  }
0x1c: {  	p1 =	slt.u32 s9, $0xF7A;
	s5 =	simm.s32 @!p2 $0x0  }
0x1d: {  	s5 =	simm.s32 @p1 $0x1;
	p0 =	seq.s32 s7, s2  }
0x1e: {  	s7 =	smul.u32 @!p0 $0xF7A, s2;
	p2 =	seq.s32 @!p0 s5, $0x0  }
0x1f: {  	s9 =	smul.u32 $0xF7A, s1;
	s8 =	simm.s32 @!p0 $0x1BF5;
	p2 =	por !p2, p0  }
0x20: {  	[sflag:s8] =	ssyncset.s32 @!p0 $0xFFFFF086;
	s6 =	sadd.s32 @!p0 s3, s7;
	s7 =	simm.s32 @!p0 $0x108  }
0x21: {  	s3 =	sadd.s32 s3, s9;
	s6 =	sadd.s32 @!p0 $0x88, s6;
	s7 =	simm.s32 @p2 $0x1082  }
0x22: {  	[simem:s7], [sflag:s8] =	dma.local @!p0 [hbm:s6], $0xF7A  }
0x23: {  	s9 =	sor.u32 $0xD0000000, s2;
	s6 =	simm.s32 $0x108;
	_ =	swait.ge @!p0 [sflag:s8], $0x0  }
0x24: {  	s3 =	sadd.s32 $0x88, s3;
	s6 =	simm.s32 @!p1 $0x1082;
	[sflag:s4] =	ssyncset.s32 $0xFFFFF086  }
0x25: {  	[simem:s6], [sflag:s4] =	dma.local [hbm:s3], $0xF7A  }
0x26: {  	[smem:$0x3F9C] =	sst s1;
	(tag) =	ssettag s2;
	_ =	strace s9  }
0x27: {  	s1 =	sld [smem:$0x3FAC]  }
0x28: {  	s2 =	sld [smem:$0x3FAD]  }
0x29: {  	s4 =	sld [smem:$0x3FAF]  }
0x2a: {  	p0 =	seq.s32 s5, $0x0;
	s5 =	sld [smem:$0x3FB0]  }
0x2b: {  	s6 =	sld [smem:$0x3FB1]  }
0x2c: {  	s7 =	sld [smem:$0x3FB2]  }
0x2d: {  	s3 =	simm.s32 $0x108;
	s8 =	sld [smem:$0x3FB3]  }
0x2e: {  	s3 =	simm.s32 @!p0 $0x1082;
	s9 =	sld [smem:$0x3FB4]  }
0x2f: {  	lr =	sadd.s32 s0, s3;
	s0 =	sld [smem:$0x3FAB]  }
0x30: {  	s3 =	sld [smem:$0x3FAE]  }
0x31: {  	[smem:$0x3FB7] =	sst s10  }
0x32: {  	s10 =	sld [smem:$0x3FB5];
	_ =	sdelay $0x3  }
0x33: {  	p0 =	seq.s32 s10, $0x1;
	s10 =	sld [smem:$0x3FB7];
	_ =	sdelay $0x3  }
0x34: {  	[smem:$0x3FB7] =	sst s10  }
0x35: {  	s10 =	sld [smem:$0x3FB6];
	_ =	sdelay $0x3  }
0x36: {  	p1 =	seq.s32 s10, $0x1;
	s10 =	sld [smem:$0x3FB7];
	_ =	sdelay $0x3  }
0x37: {  	[smem:$0x3FB7] =	sst s10  }
0x38: {  	s10 =	sld [smem:$0x3FB8]  }
0x39: {  	_ = 	snop;
	(pc) =	sbr.ind lr, $3  }
0x3a: {  	_ = 	snop  }
0x3b: {  	_ = 	snop  }
0x3c: {  	p2 =	seq.s32 s10, $0x1;
	s10 =	sld [smem:$0x3FB7]  }
0x3d: {  	_ =	shalt  }
0x3e: {  	_ =	shalt  }
0x3f: {  	_ =	shalt  }
0x40: {  	_ =	shalt  }
0x41: {  	_ =	shalt  }
0x42: {  	_ =	shalt  }
0x43: {  	_ =	shalt  }
0x44: {  	_ =	shalt  }
0x45: {  	_ =	shalt  }
0x46: {  	_ =	shalt  }
0x47: {  	_ =	shalt  }
0x48: {  	_ =	shalt  }
0x49: {  	_ =	shalt  }
0x4a: {  	_ =	shalt  }
0x4b: {  	_ =	shalt  }
0x4c: {  	_ =	shalt  }
0x4d: {  	_ =	shalt  }
0x4e: {  	_ =	shalt  }
0x4f: {  	_ =	shalt  }
0x50: {  	_ =	shalt  }
0x51: {  	_ =	shalt  }
0x52: {  	_ =	shalt  }
0x53: {  	_ =	shalt  }
0x54: {  	_ =	shalt  }
0x55: {  	_ =	shalt  }
0x56: {  	_ =	shalt  }
0x57: {  	_ =	shalt  }
0x58: {  	_ =	shalt  }
0x59: {  	_ =	shalt  }
0x5a: {  	_ =	shalt  }
0x5b: {  	_ =	shalt  }
0x5c: {  	_ =	shalt  }
0x5d: {  	_ =	shalt  }
0x5e: {  	_ =	shalt  }
0x5f: {  	_ =	shalt  }
0x60: {  	_ =	shalt  }
0x61: {  	_ =	shalt  }
0x62: {  	_ =	shalt  }
0x63: {  	_ =	shalt  }
0x64: {  	_ =	shalt  }
0x65: {  	_ =	shalt  }
0x66: {  	_ =	shalt  }
0x67: {  	_ =	shalt  }
0x68: {  	_ =	shalt  }
0x69: {  	_ =	shalt  }
0x6a: {  	_ =	shalt  }
0x6b: {  	_ =	shalt  }
0x6c: {  	_ =	shalt  }
0x6d: {  	_ =	shalt  }
0x6e: {  	_ =	shalt  }
0x6f: {  	_ =	shalt  }
0x70: {  	_ =	shalt  }
0x71: {  	_ =	shalt  }
0x72: {  	_ =	shalt  }
0x73: {  	_ =	shalt  }
0x74: {  	_ =	shalt  }
0x75: {  	_ =	shalt  }
0x76: {  	_ =	shalt  }
0x77: {  	_ =	shalt  }
0x78: {  	_ =	shalt  }
0x79: {  	_ =	shalt  }
0x7a: {  	_ =	shalt  }
0x7b: {  	_ =	shalt  }
0x7c: {  	_ =	shalt  }
0x7d: {  	_ =	shalt  }
0x7e: {  	_ =	shalt  }
0x7f: {  	_ =	shalt  }
0x80: {  	_ =	shalt  }
0x81: {  	_ =	shalt  }
0x82: {  	_ =	shalt  }
0x83: {  	_ =	shalt  }
0x84: {  	_ =	shalt  }
0x85: {  	_ =	shalt  }
0x86: {  	_ =	shalt  }
0x87: {  	_ =	shalt  }
.Lfunc_end0:
.L_simem_size_0:
called_computation.1_lowered:
.L_overlay_start_0:
0x88: {  	s2 =	sld [smem:$0x3FD9]  }
0x89: {  	s3 =	sld [smem:$0x3FFE];
	_ =	sdelay $0x1  }
0x8a: {  	s1 =	srdreg.scid  }
0x8b: {  	s0 =	sand.u32 $0x1, s1  }
0x8c: {  	s16 =	sshll.u32 s0, $0xA;
	s2 =	sadd.s32 s3, s2  }
0x8d: {  	s2 =	sadd.s32 s2, s16  }
0x8e: {  	[smem:$0x3FC3] =	sst s2  }
0x8f: {  	_ = 	snop  }
0x90: {  	(tm) =	ssettm $0x1  }
0x91: {  	s17 =	sld [smem:$0x3FFB];
	_ =	sdelay $0x3  }
0x92: {  	_ =	strace s17  }
0x93: {  	s2 =	sld [smem:$0x3FFC];
	_ =	sdelay $0x3  }
0x94: {  	_ =	strace s2  }
0x95: {  	s2 =	sld [smem:$0x3FFD];
	_ =	sdelay $0x3  }
0x96: {  	_ =	strace s2  }
0x97: {  	_ =	strace $0x8FFFFFFF  }
0x98: {  	s18 =	sld [smem:$0x3FDB];
	_ =	sdelay $0x1  }
0x99: {  	s19 =	simm.s32 $_scs_section_size  }
0x9a: {  	s4 =	simm.s32 $_size__tile_overlayer_lowered;
	s5 =	simm.s32 $_tile_overlayer_lowered  }
0x9b: {  	s22 =	simm.s32 $0x1BFF;
	s21 =	sshll.u32 s5, $0x1;
	s2 =	sadd.s32 s19, s18  }
0x9c: {  	s6 =	simm.s32 $0x0;
	s20 =	sshll.u32 s4, $0x1;
	s4 =	sadd.s32 s21, s2  }
0x9d: {  	[timem:s6], [sflag:s22] =	dma.local [hbm:s4], s20  }
0x9e: {  	_ =	swait.ge [sflag:s22], s20  }
0x9f: {  	s3 =	ssub.s32 $0x0, s20;
	[sflag:s22] =	ssyncset.done $0x0  }
0xa0: {  	[sflag:s22] =	ssyncadd.s32 s3;
	_ =	sdelay $0x1  }
0xa1: {  	s23 =	simm.s32 $0x1B8B  }
0xa2: {  	_ =	swait.ge [sflag:s23], $0x1  }
0xa3: {  	[sflag:s23] =	ssyncset.done $0x0  }
0xa4: {  	s25 =	simm.s32 $0x1B8E;
	s24 =	sld [smem:$0x3FFE];
	[sflag:s23] =	ssyncadd.s32 $0xFFFFFFFF  }
0xa5: {  	s26 =	simm.s32 $execute0_lowered;
	[smem:$0x3FD2] =	sst s25  }
0xa6: {  	s4 =	sshll.u32 s26, $0x1;
	_ =	strace $0x80000049;
	[dreg:$0x1] =	wrdreg $0xFFFFFFFF  }
0xa7: {  	s28 =	simm.s32 $_size_execute0_lowered;
	s2 =	sadd.s32 s2, s4;
	[dreg:$0x0] =	wrdreg $0x0  }
0xa8: {  	s4 =	sshll.u32 s28, $0x1;
	[dreg:$0x2] =	wrdreg s2  }
0xa9: {  	[dreg:$0x3] =	wrdreg s4  }
0xaa: {  	[dreg:$0x4] =	wrdreg $0xC0  }
0xab: {  	_ =	task [dreg:s6], $0x5FFFF  }
0xac: {  	[dreg:$0x1] =	wrdreg $0xFFFFFFFF  }
0xad: {  	[dreg:$0x0] =	wrdreg $0x60  }
0xae: {  	[dreg:$0x2] =	wrdreg s24  }
0xaf: {  	[dreg:$0x3] =	wrdreg $0x9  }
0xb0: {  	_ =	task.clear_ibuf [dreg:s6], $0x4FFFF;
	_ =	strace $0x90000049  }
0xb1: {  	s29 =	simm.s32 $0x9;
	_ =	strace $0x8000004B  }
0xb2: {  	_ =	swait.ge [sflag:s29], $0x1  }
0xb3: {  	[sflag:s29] =	ssyncadd.s32 $0xFFFFFFFF  }
0xb4: {  	_ =	strace $0x9000004B  }
0xb5: {  	_ =	sfence  }
0xb6: {  	s30 =	sld [smem:$0x0];
	_ =	sdelay $0x2  }
0xb7: {  	s31 =	sshll.u32 s1, $0xD;
	s1 =	sshrl.u32 s1, $0x2  }
0xb8: {  	s3 =	sand.u32 $0x4000, s31;
	s1 =	sadd.s32 s1, s30  }
0xb9: {  	s0 =	sor.u32 s3, s0;
	s1 =	sshll.u32 s1, $0x11  }
0xba: {  	s0 =	sor.u32 s1, s0  }
0xbb: {  	s0 =	sadd.s32 $0x8F2B, s0  }
0xbc: {  	[sflag:s0] =	ssyncadd.remote.s32 $0x1  }
0xbd: {  	_ =	sfence.sel $0xFFFF  }
0xbe: {  	[dreg:$0x0] =	wrdreg $0xFFFFFFFF;
	(pc) =	sbr.abs _section_cstart, $3  }
0xbf: {  	[dreg:$0x1] =	wrdreg $0xFFFFFFFF  }
0xc0: {  	_ =	task.clear_ibuf [dreg:s6], $0x2FFFF;
	_ =	strace $0x9FFFFFFF  }
0xc1: {  	(tm) =	ssettm $0x7FFFFFFF  }
tec
execute0_lowered:
.L_overlay_start_1:
0x0: {  	(tag) =	ssettag $0x1  }
0x1: {  	s3 =	srdreg.scid  }
0x2: {  	s3 =	sand.u32 $0x1, s3  }
0x3: {  	s2 =	rddreg [dreg:$0x0];
	s4 =	simm.s32 $0x1A00;
	p0 =	seq.s32 s3, $0x1  }
0x4: {  	s0 =	rddreg [dreg:$0x1];
	s1 =	simm.s32 $0x0;
	s4 =	simm.s32 @!p0 $0x0  }
0x5: {  	s20 =	simm.s32 $0x1;
	s24 =	sadd.s32 s4, s2;
	s2 =	stileid.u32  }
0x6: {  	s28 =	simm.s32 $0x80;
	s29 =	simm.s32 $0x400;
	s31 =	sor.u32 s3, s2  }
0x7: {  	[smem:$0x7FF] =	sst s1;
	s5 =	ssub.s32 $0x2, s3;
	p1 =	seq.s32 s31, $0x0  }
0x8: {  	_ =	strace $0x8000004A;
	s30 =	sshrl.u32 s5, $0x1;
	p0 =	por !p1, !p0  }
0x9: {  	s25 =	ssub.s32 s5, s30;
	s3 =	sadd.s32 $0x16B870, s24;
	p0 =	por !p0, !p0  }
0xa: {  	s4 =	sadd.s32 $0x172020, s24;
	s5 =	sadd.s32 $0x137870, s24;
	s20 =	simm.s32 @!p0 $0x0  }
0xb: {  	s6 =	sadd.s32 $0x172010, s24;
	s7 =	sadd.s32 $0x103870, s24;
	s23 =	ssub.s32 s2, s20  }
0xc: {  	s8 =	sadd.s32 $0x172000, s24;
	s9 =	sadd.s32 $0x16EC70, s24;
	p2 =	seq.s32 s23, $0x0  }
0xd: {  	s10 =	sadd.s32 $0xCF870, s24;
	s11 =	sadd.s32 $0x9B870, s24;
	s26 =	simm.s32 @!p2 $0x0  }
0xe: {  	s12 =	sadd.s32 $0x16EC60, s24;
	s26 =	simm.s32 @p2 $0x1;
	p2 =	seq.s32 s23, $0x1  }
0xf: {  	s13 =	sadd.s32 $0x67870, s24;
	[smem:$0x7F6] =	sst s26;
	s26 =	simm.s32 @!p2 $0x0  }
0x10: {  	s14 =	sadd.s32 $0x16EC50, s24;
	s26 =	simm.s32 @p2 $0x1;
	p2 =	seq.s32 s23, $0x3  }
0x11: {  	s15 =	sadd.s32 $0x33870, s24;
	[smem:$0x7F7] =	sst s26;
	s26 =	simm.s32 @!p2 $0x0  }
0x12: {  	s16 =	sadd.s32 $0x16EC40, s24;
	s26 =	simm.s32 @p2 $0x1;
	p2 =	seq.s32 s23, $0x4  }
0x13: {  	s17 =	sadd.s32 $0x3DB870, s24;
	[smem:$0x7F8] =	sst s26;
	s26 =	simm.s32 @!p2 $0x0  }
0x14: {  	s18 =	sadd.s32 $0x3A7870, s24;
	s26 =	simm.s32 @p2 $0x1;
	p2 =	seq.s32 s23, $0x6  }
0x15: {  	s19 =	sadd.s32 $0x373870, s24;
	[smem:$0x7F9] =	sst s26;
	s26 =	simm.s32 @!p2 $0x0  }
0x16: {  	s21 =	sadd.s32 $0x16EC00, s24;
	s26 =	simm.s32 @p2 $0x1;
	p2 =	seq.s32 s23, $0x7  }
0x17: {  	p0 =	sgt.s32 s23, $0x4;
	[smem:$0x7FA] =	sst s26;
	s26 =	simm.s32 @!p2 $0x0  }
0x18: {  	p1 =	sgt.s32 s23, $0x1;
	s26 =	simm.s32 @p2 $0x1;
	p2 =	seq.s32 s23, $0x9  }
0x19: {  	p4 =	seq.s32 s23, $0x2;
	[smem:$0x7FB] =	sst s26;
	s26 =	simm.s32 @!p2 $0x0  }
0x1a: {  	p3 =	sgt.s32 s23, $0x7;
	s26 =	simm.s32 @p2 $0x1;
	p2 =	sne.s32 s23, $0xA  }
0x1b: {  	p6 =	seq.s32 s23, $0x5;
	p5 =	seq.s32 s23, $0x8;
	s23 =	simm.s32 @!p2 $0x0  }
0x1c: {  	s22 =	sadd.s32 $0x16EC10, s24;
	[smem:$0x7FC] =	sst s26;
	s23 =	simm.s32 @p2 $0x1  }
0x1d: {  	s25 =	smax.u32 s25, $0x1;
	s20 =	sadd.s32 $0x33F870, s24;
	[smem:$0x7FD] =	sst s23  }
0x1e: {  	s26 =	simm.s32 $0x1;
	s23 =	sadd.s32 $0x16EC20, s24;
	s24 =	sadd.s32 $0x16EC30, s24  }
.LBB2_1:
.Ltmp0:
0x1f: {  	(pc) =	sbr.rel @!p0 .LBB2_2-.Ltmp0, $1  }
0x20: {  	_ =	sdelay $0x3  }
.Ltmp1:
0x21: {  	(pc) =	sbr.rel @p3 .LBB2_15-.Ltmp1, $1  }
0x22: {  	_ =	sdelay $0x3  }
.Ltmp2:
0x23: {  	(pc) =	sbr.rel @p6 .LBB2_23-.Ltmp2, $1  }
0x24: {  	_ =	sdelay $0x3  }
0x25: {  	s30 =	sld [smem:$0x7FA];
	_ =	sdelay $0x2  }
0x26: {  	p2 =	seq.s32 s30, $0x1  }
.Ltmp3:
0x27: {  	_ = 	snop;
	(pc) =	sbr.rel @p2 .LBB2_22-.Ltmp3, $1  }
0x28: {  	_ =	sdelay $0x3  }
0x29: {  	s30 =	sld [smem:$0x7FB];
	_ =	sdelay $0x2  }
0x2a: {  	p2 =	seq.s32 s30, $0x1  }
.Ltmp4:
0x2b: {  	_ = 	snop;
	(pc) =	sbr.rel @!p2 .LBB2_27-.Ltmp4, $1  }
0x2c: {  	_ =	sdelay $0x3  }
.Ltmp5:
0x2d: {  	(pc) =	sbr.rel .LBB2_26-.Ltmp5, $4  }
0x2e: {  	[tilespmem:s1], [sflag:$0x1] =	stream.strided.gather [hbm4b:s10+s28], $0x1A00, s29, s28, $0x38;
	[tilespmem:$0x1A00] =	vst v63  }
0x2f: {  	_ =	swait.ge [sflag:s26], $0x1A00  }
0x30: {  	[sflag:s26] =	ssyncset.done $0x0  }
0x31: {  	s30 =	smov.u32 s9;
	[sflag:s26] =	ssyncadd.s32 $0xFFFFE600  }
.LBB2_2:
.Ltmp6:
0x32: {  	(pc) =	sbr.rel @!p1 .LBB2_3-.Ltmp6, $1  }
0x33: {  	_ =	sdelay $0x3  }
.Ltmp7:
0x34: {  	(pc) =	sbr.rel @p4 .LBB2_24-.Ltmp7, $1  }
0x35: {  	_ =	sdelay $0x3  }
0x36: {  	s30 =	sld [smem:$0x7F8];
	_ =	sdelay $0x2  }
0x37: {  	p2 =	seq.s32 s30, $0x1  }
.Ltmp8:
0x38: {  	_ = 	snop;
	(pc) =	sbr.rel @p2 .LBB2_25-.Ltmp8, $1  }
0x39: {  	_ =	sdelay $0x3  }
0x3a: {  	s30 =	sld [smem:$0x7F9];
	_ =	sdelay $0x2  }
0x3b: {  	p2 =	seq.s32 s30, $0x1  }
.Ltmp9:
0x3c: {  	_ = 	snop;
	(pc) =	sbr.rel @!p2 .LBB2_27-.Ltmp9, $1  }
0x3d: {  	_ =	sdelay $0x3  }
.Ltmp10:
0x3e: {  	(pc) =	sbr.rel .LBB2_26-.Ltmp10, $4  }
0x3f: {  	[tilespmem:s1], [sflag:$0x1] =	stream.strided.gather [hbm4b:s15+s28], $0x1A00, s29, s28, $0x38;
	[tilespmem:$0x1A00] =	vst v63  }
0x40: {  	_ =	swait.ge [sflag:s26], $0x1A00  }
0x41: {  	[sflag:s26] =	ssyncset.done $0x0  }
0x42: {  	s30 =	smov.u32 s16;
	[sflag:s26] =	ssyncadd.s32 $0xFFFFE600  }
.LBB2_15:
.Ltmp11:
0x43: {  	(pc) =	sbr.rel @p5 .LBB2_21-.Ltmp11, $1  }
0x44: {  	_ =	sdelay $0x3  }
0x45: {  	s30 =	sld [smem:$0x7FC];
	_ =	sdelay $0x2  }
0x46: {  	p2 =	seq.s32 s30, $0x1  }
.Ltmp12:
0x47: {  	_ = 	snop;
	(pc) =	sbr.rel @p2 .LBB2_20-.Ltmp12, $1  }
0x48: {  	_ =	sdelay $0x3  }
0x49: {  	s30 =	sld [smem:$0x7FD];
	_ =	sdelay $0x2  }
0x4a: {  	p2 =	seq.s32 s30, $0x1  }
.Ltmp13:
0x4b: {  	_ = 	snop;
	(pc) =	sbr.rel @p2 .LBB2_27-.Ltmp13, $1  }
0x4c: {  	_ =	sdelay $0x3  }
.Ltmp14:
0x4d: {  	(pc) =	sbr.rel .LBB2_26-.Ltmp14, $4  }
0x4e: {  	[tilespmem:s1], [sflag:$0x1] =	stream.strided.gather [hbm4b:s3+s28], $0x1A00, s29, s28, $0x38;
	[tilespmem:$0x1A00] =	vst v63  }
0x4f: {  	_ =	swait.ge [sflag:s26], $0x1A00  }
0x50: {  	[sflag:s26] =	ssyncset.done $0x0  }
0x51: {  	s30 =	smov.u32 s4;
	[sflag:s26] =	ssyncadd.s32 $0xFFFFE600  }
.LBB2_3:
0x52: {  	s30 =	sld [smem:$0x7F6];
	_ =	sdelay $0x2  }
0x53: {  	p2 =	seq.s32 s30, $0x1  }
.Ltmp15:
0x54: {  	_ = 	snop;
	(pc) =	sbr.rel @p2 .LBB2_19-.Ltmp15, $1  }
0x55: {  	_ =	sdelay $0x3  }
0x56: {  	s30 =	sld [smem:$0x7F7];
	_ =	sdelay $0x2  }
0x57: {  	p2 =	seq.s32 s30, $0x1  }
.Ltmp16:
0x58: {  	_ = 	snop;
	(pc) =	sbr.rel @!p2 .LBB2_27-.Ltmp16, $1  }
0x59: {  	_ =	sdelay $0x3  }
.Ltmp17:
0x5a: {  	(pc) =	sbr.rel .LBB2_26-.Ltmp17, $4  }
0x5b: {  	[tilespmem:s1], [sflag:$0x1] =	stream.strided.gather [hbm4b:s19+s28], $0x1A00, s29, s28, $0x38;
	[tilespmem:$0x1A00] =	vst v63  }
0x5c: {  	_ =	swait.ge [sflag:s26], $0x1A00  }
0x5d: {  	[sflag:s26] =	ssyncset.done $0x0  }
0x5e: {  	s30 =	smov.u32 s22;
	[sflag:s26] =	ssyncadd.s32 $0xFFFFE600  }
.LBB2_19:
.Ltmp18:
0x5f: {  	(pc) =	sbr.rel .LBB2_26-.Ltmp18, $4  }
0x60: {  	[tilespmem:s1], [sflag:$0x1] =	stream.strided.gather [hbm4b:s20+s28], $0x1A00, s29, s28, $0x38;
	[tilespmem:$0x1A00] =	vst v63  }
0x61: {  	_ =	swait.ge [sflag:s26], $0x1A00  }
0x62: {  	[sflag:s26] =	ssyncset.done $0x0  }
0x63: {  	s30 =	smov.u32 s21;
	[sflag:s26] =	ssyncadd.s32 $0xFFFFE600  }
.LBB2_25:
.Ltmp19:
0x64: {  	(pc) =	sbr.rel .LBB2_26-.Ltmp19, $4  }
0x65: {  	[tilespmem:s1], [sflag:$0x1] =	stream.strided.gather [hbm4b:s17+s28], $0x1A00, s29, s28, $0x38;
	[tilespmem:$0x1A00] =	vst v63  }
0x66: {  	_ =	swait.ge [sflag:s26], $0x1A00  }
0x67: {  	[sflag:s26] =	ssyncset.done $0x0  }
0x68: {  	s30 =	smov.u32 s24;
	[sflag:s26] =	ssyncadd.s32 $0xFFFFE600  }
.LBB2_22:
.Ltmp20:
0x69: {  	(pc) =	sbr.rel .LBB2_26-.Ltmp20, $4  }
0x6a: {  	[tilespmem:s1], [sflag:$0x1] =	stream.strided.gather [hbm4b:s11+s28], $0x1A00, s29, s28, $0x38;
	[tilespmem:$0x1A00] =	vst v63  }
0x6b: {  	_ =	swait.ge [sflag:s26], $0x1A00  }
0x6c: {  	[sflag:s26] =	ssyncset.done $0x0  }
0x6d: {  	s30 =	smov.u32 s12;
	[sflag:s26] =	ssyncadd.s32 $0xFFFFE600  }
.LBB2_20:
.Ltmp21:
0x6e: {  	(pc) =	sbr.rel .LBB2_26-.Ltmp21, $4  }
0x6f: {  	[tilespmem:s1], [sflag:$0x1] =	stream.strided.gather [hbm4b:s5+s28], $0x1A00, s29, s28, $0x38;
	[tilespmem:$0x1A00] =	vst v63  }
0x70: {  	_ =	swait.ge [sflag:s26], $0x1A00  }
0x71: {  	[sflag:s26] =	ssyncset.done $0x0  }
0x72: {  	s30 =	smov.u32 s6;
	[sflag:s26] =	ssyncadd.s32 $0xFFFFE600  }
.LBB2_24:
.Ltmp22:
0x73: {  	(pc) =	sbr.rel .LBB2_26-.Ltmp22, $4  }
0x74: {  	[tilespmem:s1], [sflag:$0x1] =	stream.strided.gather [hbm4b:s18+s28], $0x1A00, s29, s28, $0x38;
	[tilespmem:$0x1A00] =	vst v63  }
0x75: {  	_ =	swait.ge [sflag:s26], $0x1A00  }
0x76: {  	[sflag:s26] =	ssyncset.done $0x0  }
0x77: {  	s30 =	smov.u32 s23;
	[sflag:s26] =	ssyncadd.s32 $0xFFFFE600  }
.LBB2_23:
.Ltmp23:
0x78: {  	(pc) =	sbr.rel .LBB2_26-.Ltmp23, $4  }
0x79: {  	[tilespmem:s1], [sflag:$0x1] =	stream.strided.gather [hbm4b:s13+s28], $0x1A00, s29, s28, $0x38;
	[tilespmem:$0x1A00] =	vst v63  }
0x7a: {  	_ =	swait.ge [sflag:s26], $0x1A00  }
0x7b: {  	[sflag:s26] =	ssyncset.done $0x0  }
0x7c: {  	s30 =	smov.u32 s14;
	[sflag:s26] =	ssyncadd.s32 $0xFFFFE600  }
.LBB2_21:
0x7d: {  	[tilespmem:s1], [sflag:$0x1] =	stream.strided.gather [hbm4b:s7+s28], $0x1A00, s29, s28, $0x38;
	[tilespmem:$0x1A00] =	vst v63  }
0x7e: {  	_ =	swait.ge [sflag:s26], $0x1A00  }
0x7f: {  	[sflag:s26] =	ssyncset.done $0x0  }
0x80: {  	s30 =	smov.u32 s8;
	[sflag:s26] =	ssyncadd.s32 $0xFFFFE600  }
.LBB2_26:
0x81: {  	[hbm4b:s30+s28] =	stream.strided.scatter [tilespmem:s1], [sflag:$0x1], $0x1A00, s29, s28, $0x38;
	[tilespmem:$0x1A00] =	vst v63  }
0x82: {  	_ =	swait.ge [sflag:s26], $0x1A00  }
0x83: {  	[sflag:s26] =	ssyncset.done $0x0  }
0x84: {  	[sflag:s26] =	ssyncadd.s32 $0xFFFFE600  }
.LBB2_27:
0x85: {  	s25 =	sadd.s32 $0xFFFFFFFF, s25  }
0x86: {  	p2 =	sne.s32 s25, $0x0  }
.Ltmp24:
0x87: {  	_ = 	snop;
	(pc) =	sbr.rel @p2 .LBB2_1-.Ltmp24, $1  }
0x88: {  	_ =	sdelay $0x3  }
0x89: {  	_ =	sfence.sel $0x180000  }
0x8a: {  	[bflag:$0x0] =	sbarrier.arrive $0xFFFF  }
0x8b: {  	p0 =	sne.s32 s2, $0x0;
	_ =	strace $0x9000004A  }
0x8c: {  	s0 =	sadd.s32 @!p0 $0x100000, s0;
	[bflag:$0x2] =	sbarrier.arrive $0xFFFF  }
0x8d: {  	[sflag:s0] =	ssyncadd.tile.s32 @!p0 $0x1;
	_ =	shalt  }
.Lfunc_end2:
_tile_overlayer_lowered:
.L_overlay_start_2:
0x8e: {  	(tag) =	ssettag $0x2  }
0x8f: {  	s0 =	rddreg [dreg:$0x0];
	s2 =	stileid.u32  }
0x90: {  	s1 =	rddreg [dreg:$0x1];
	p0 =	sne.s32 s2, $0x0  }
0x91: {  	s3 =	rddreg [dreg:$0x2];
	[bflag:$0x3] =	sbarrier.arrive $0xFFFF;
	s2 =	simm.s32 @!p0 $0x1C01  }
0x92: {  	[timem:s3], [sflag:s2] =	dma.local @!p0 [hbm:s0], s1  }
0x93: {  	s0 =	simm.s32 @!p0 $0x1  }
0x94: {  	_ =	swait.ge @!p0 [sflag:s0], s1  }
0x95: {  	s1 =	ssub.s32 @!p0 $0x0, s1;
	[sflag:s0] =	ssyncset.done @!p0 $0x0  }
0x96: {  	[sflag:s0] =	ssyncadd.s32 @!p0 s1  }
0x97: {  	[bflag:$0x3] =	sbarrier.arrive $0xFFFF  }
0x98: {  	_ =	shalt  }

// kernel: sparse-core-data-format-call.cloned.1.call-start
scs
called_computation_lowered:
.L_overlay_start_0:
0x0: {  	s1 =	sld [smem:$0x3FD9]  }
0x1: {  	s2 =	sld [smem:$0x3FFE];
	_ =	sdelay $0x1  }
0x2: {  	s3 =	srdreg.scid  }
0x3: {  	s0 =	sand.u32 $0x1, s3  }
0x4: {  	s17 =	sshll.u32 s0, $0xA;
	s1 =	sadd.s32 s2, s1  }
0x5: {  	s1 =	sadd.s32 s1, s17  }
0x6: {  	[smem:$0x3FC3] =	sst s1  }
0x7: {  	_ = 	snop  }
0x8: {  	(tm) =	ssettm $0x1  }
0x9: {  	s18 =	sld [smem:$0x3FFB];
	_ =	sdelay $0x3  }
0xa: {  	_ =	strace s18  }
0xb: {  	s1 =	sld [smem:$0x3FFC];
	_ =	sdelay $0x3  }
0xc: {  	_ =	strace s1  }
0xd: {  	s1 =	sld [smem:$0x3FFD];
	_ =	sdelay $0x3  }
0xe: {  	_ =	strace s1  }
0xf: {  	_ =	strace $0x8FFFFFFF  }
0x10: {  	s19 =	sld [smem:$0x3FDB];
	_ =	sdelay $0x1  }
0x11: {  	s20 =	simm.s32 $_scs_section_size  }
0x12: {  	s4 =	simm.s32 $_size__tile_overlayer_lowered;
	s5 =	simm.s32 $_tile_overlayer_lowered  }
0x13: {  	s23 =	simm.s32 $0x1BFF;
	s22 =	sshll.u32 s5, $0x1;
	s1 =	sadd.s32 s20, s19  }
0x14: {  	s6 =	simm.s32 $0x0;
	s21 =	sshll.u32 s4, $0x1;
	s4 =	sadd.s32 s22, s1  }
0x15: {  	[timem:s6], [sflag:s23] =	dma.local [hbm:s4], s21  }
0x16: {  	_ =	swait.ge [sflag:s23], s21  }
0x17: {  	s2 =	ssub.s32 $0x0, s21;
	[sflag:s23] =	ssyncset.done $0x0  }
0x18: {  	[sflag:s23] =	ssyncadd.s32 s2;
	_ =	sdelay $0x1  }
0x19: {  	s24 =	simm.s32 $0x1B8B  }
0x1a: {  	_ =	swait.ge [sflag:s24], $0x1  }
0x1b: {  	[sflag:s24] =	ssyncset.done $0x0  }
0x1c: {  	s26 =	simm.s32 $0x1B8E;
	s25 =	sld [smem:$0x3FFE];
	[sflag:s24] =	ssyncadd.s32 $0xFFFFFFFF  }
0x1d: {  	s27 =	simm.s32 $execute0_lowered;
	[smem:$0x3FD2] =	sst s26  }
0x1e: {  	s4 =	sshll.u32 s27, $0x1;
	_ =	strace $0x80000046;
	[dreg:$0x1] =	wrdreg $0xFFFFFFFF  }
0x1f: {  	s28 =	simm.s32 $_size_execute0_lowered;
	s1 =	sadd.s32 s1, s4;
	[dreg:$0x0] =	wrdreg $0x0  }
0x20: {  	s4 =	sshll.u32 s28, $0x1;
	[dreg:$0x2] =	wrdreg s1  }
0x21: {  	[dreg:$0x3] =	wrdreg s4  }
0x22: {  	[dreg:$0x4] =	wrdreg $0xC0  }
0x23: {  	_ =	task [dreg:s6], $0x5FFFF  }
0x24: {  	[dreg:$0x1] =	wrdreg $0xFFFFFFFF  }
0x25: {  	[dreg:$0x0] =	wrdreg $0x60  }
0x26: {  	[dreg:$0x2] =	wrdreg s25  }
0x27: {  	[dreg:$0x3] =	wrdreg $0x9  }
0x28: {  	_ =	task.clear_ibuf [dreg:s6], $0x4FFFF;
	_ =	strace $0x90000046  }
0x29: {  	s29 =	simm.s32 $0x9;
	_ =	strace $0x80000048  }
0x2a: {  	_ =	swait.ge [sflag:s29], $0x1  }
0x2b: {  	[sflag:s29] =	ssyncadd.s32 $0xFFFFFFFF  }
0x2c: {  	_ =	strace $0x90000048  }
0x2d: {  	_ =	sfence  }
0x2e: {  	s30 =	sld [smem:$0x0];
	_ =	sdelay $0x2  }
0x2f: {  	s31 =	sshll.u32 s3, $0xD;
	s3 =	sshrl.u32 s3, $0x2  }
0x30: {  	s2 =	sand.u32 $0x4000, s31;
	s1 =	sadd.s32 s3, s30  }
0x31: {  	s0 =	sor.u32 s2, s0;
	s1 =	sshll.u32 s1, $0x11  }
0x32: {  	s0 =	sor.u32 s1, s0  }
0x33: {  	s0 =	sadd.s32 $0x8F2B, s0  }
0x34: {  	[sflag:s0] =	ssyncadd.remote.s32 $0x1  }
0x35: {  	_ =	sfence.sel $0xFFFF  }
0x36: {  	[dreg:$0x0] =	wrdreg $0xFFFFFFFF;
	(pc) =	sbr.abs _section_cstart, $3  }
0x37: {  	[dreg:$0x1] =	wrdreg $0xFFFFFFFF  }
0x38: {  	_ =	task.clear_ibuf [dreg:s6], $0x2FFFF;
	_ =	strace $0x9FFFFFFF  }
0x39: {  	(tm) =	ssettm $0x7FFFFFFF  }
tec
execute0_lowered:
.L_overlay_start_1:
0x0: {  	(tag) =	ssettag $0x1  }
0x1: {  	s1 =	srdreg.scid  }
0x2: {  	s0 =	stileid.u32;
	s4 =	rddreg [dreg:$0x0];
	s31 =	simm.s32 $0x2  }
0x3: {  	s13 =	simm.s32 $0x0;
	s9 =	simm.s32 $0x400;
	s10 =	simm.s32 $0x1C00  }
0x4: {  	s14 =	simm.s32 $0x0;
	s1 =	sshll.u32 s1, $0x4;
	s2 =	sshll.u32 s0, $0x4  }
0x5: {  	s12 =	simm.s32 $0x0;
	s1 =	sand.u32 $0x10, s1;
	s2 =	sand.u32 $0x30, s2  }
0x6: {  	s3 =	sor.u32 s0, s1;
	s1 =	rddreg [dreg:$0x1];
	s5 =	ssub.s32 $0x680, s2  }
0x7: {  	_ =	strace $0x80000047;
	s3 =	sshrl.u32 s3, $0x2;
	s7 =	sand.u32 $0x30, s5  }
0x8: {  	s11 =	smov.u32 s2;
	s6 =	sshll.u32 s3, $0x4;
	p0 =	sne.s32 s7, $0x0  }
.Ltmp0:
0x9: {  	s8 =	sadd.s32 s6, s4;
	s6 =	simm.s32 $0x1;
	(pc) =	sbr.rel .LBB1_1-.Ltmp0, $4  }
0xa: {  	s30 =	sshrl.u32 s5, $0x6;
	s5 =	simm.s32 $0x1;
	s6 =	simm.s32 @!p0 $0x0  }
0xb: {  	[sflag:s5] =	ssyncpa.u1 $0x0;
	p0 =	seq.s32 s3, $0x7;
	s6 =	sadd.s32 s6, s30  }
0xc: {  	s4 =	sadd.s32 $0x1A2C00, s4;
	[sflag:s31] =	ssyncpa.u1 $0x0;
	s6 =	simm.s32 @p0 $0x0  }
0xd: {  	s7 =	sadd.s32 $0x2C00, s8;
	p0 =	por $0x0, $0x0;
	s8 =	sadd.s32 $0x1, s6  }
.LBB1_7:
0xe: {  	s15 =	sadd.s32 $0x40, s11  }
0xf: {  	p2 =	sgt.s32 s15, $0x67F  }
0x10: {  	s15 =	smov.u32 @p2 s2;
	p2 =	sne.s32 s12, s8  }
.Ltmp1:
0x11: {  	p1 =	slt.u32 s12, $0x2;
	(pc) =	sbr.rel @!p2 .LBB1_8-.Ltmp1, $4  }
0x12: {  	s13 =	simm.s32 @!p1 $0x2  }
0x13: {  	s16 =	sadd.s32 $0x1, s12;
	s14 =	smov.u32 s11;
	_ =	swait.ge @!p1 [sflag:s13], $0x4000  }
0x14: {  	p0 =	por !p0, !p0;
	s12 =	smov.u32 s16;
	[sflag:s13] =	ssyncset.done @!p1 $0x0  }
0x15: {  	s11 =	smov.u32 s15;
	[sflag:s13] =	ssyncadd.s32 @!p1 $0xFFFFC000;
	s13 =	smov.u32 s3  }
.LBB1_1:
0x16: {  	p1 =	sge.u32 s12, s6  }
0x17: {  	s31 =	sadd.s32 $0xFFFFFFFF, s12;
	s15 =	sxor.u32 @!p1 $0xFFFFFFFF, s12  }
0x18: {  	s16 =	sshll.u32 @!p1 s11, $0xA;
	s17 =	simm.s32 @!p1 $0x80;
	s15 =	sshll.u32 @!p1 s15, $0xE  }
0x19: {  	s18 =	simm.s32 @!p1 $0x400;
	s16 =	sadd.s32 @!p1 s16, s7;
	s15 =	sand.u32 @!p1 $0x4000, s15  }
0x1a: {  	[tilespmem:s15], [sflag:$0x1] =	stream.strided.gather @!p1 [hbm4b:s16+s17], $0x4000, s18, s17, $0x38;
	[tilespmem:$0x10000] =	vst v63  }
0x1b: {  	p1 =	sge.u32 s31, s6  }
.Ltmp2:
0x1c: {  	_ = 	snop;
	(pc) =	sbr.rel @p1 .LBB1_7-.Ltmp2, $1  }
0x1d: {  	_ =	sdelay $0x3  }
0x1e: {  	s15 =	simm.s32 $0x1;
	_ =	swait.ge [sflag:s5], $0x4000;
	s18 =	sshll.u32 s12, $0xE  }
0x1f: {  	s15 =	simm.s32 @!p0 $0x0;
	[sflag:s5] =	ssyncset.done $0x0;
	s31 =	sand.u32 $0x4000, s18  }
0x20: {  	s18 =	simm.s32 $0x0;
	s16 =	sshll.u32 s15, $0xE;
	[sflag:s5] =	ssyncadd.s32 $0xFFFFC000  }
0x21: {  	s15 =	sor.u32 $0x70, s16;
	s17 =	sor.u32 $0x8040, s16;
	s16 =	sor.u32 $0x8000, s31  }
.LBB1_3:
0x22: {  	v1 =	vmov s15;
	_ =	sdelay $0x3  }
0x23: {  	s19 =	simm.s32 $0x0  }
0x24: {  	v7 =	vld.idx.msk [tilespmem:v1+s19+$0x0 ss:$0x1], $0xffff  }
0x25: {  	v0 =	vmov s17;
	v8 =	vld.idx.msk [tilespmem:v1+s19+$0xFFFFFF90 ss:$0x1], $0xffff  }
0x26: {  	v6 =	vld.idx.msk [tilespmem:v1+s19+$0xFFFFFFA0 ss:$0x1], $0xffff  }
0x27: {  	v5 =	vld.idx.msk [tilespmem:v1+s19+$0xFFFFFFB0 ss:$0x1], $0xffff  }
0x28: {  	v4 =	vld.idx.msk [tilespmem:v1+s19+$0xFFFFFFC0 ss:$0x1], $0xffff  }
0x29: {  	v2 =	vld.idx.msk [tilespmem:v1+s19+$0xFFFFFFD0 ss:$0x1], $0xffff  }
0x2a: {  	v3 =	vld.idx.msk [tilespmem:v1+s19+$0xFFFFFFE0 ss:$0x1], $0xffff;
	[tilespmem:v0+s19+$0x30 ss:$0x1] =	vst.idx.msk $0xffff, v7  }
0x2b: {  	s20 =	simm.s32 $0x80;
	s21 =	simm.s32 $0x400;
	[tilespmem:v0+s19+$0xFFFFFFC0 ss:$0x1] =	vst.idx.msk $0xffff, v8;
	v7 =	vld.idx.msk [tilespmem:v1+s19+$0xFFFFFFF0 ss:$0x1], $0xffff  }
.LBB1_4:
0x2c: {  	p1 =	sne.s32 s21, $0xE00;
	v8 =	vld.idx.msk [tilespmem:v1+s20+$0x0 ss:$0x1], $0xffff;
	[tilespmem:v0+s19+$0xFFFFFFD0 ss:$0x1] =	vst.idx.msk $0xffff, v6  }
0x2d: {  	v9 =	vld.idx.msk [tilespmem:v1+s20+$0xFFFFFF90 ss:$0x1], $0xffff;
	[tilespmem:v0+s19+$0xFFFFFFE0 ss:$0x1] =	vst.idx.msk $0xffff, v5  }
0x2e: {  	v6 =	vld.idx.msk [tilespmem:v1+s20+$0xFFFFFFA0 ss:$0x1], $0xffff;
	[tilespmem:v0+s19+$0xFFFFFFF0 ss:$0x1] =	vst.idx.msk $0xffff, v4  }
.Ltmp3:
0x2f: {  	v5 =	vld.idx.msk [tilespmem:v1+s20+$0xFFFFFFB0 ss:$0x1], $0xffff;
	[tilespmem:v0+s19+$0x0 ss:$0x1] =	vst.idx.msk $0xffff, v2;
	(pc) =	sbr.rel @p1 .LBB1_4-.Ltmp3, $4  }
0x30: {  	v4 =	vld.idx.msk [tilespmem:v1+s20+$0xFFFFFFC0 ss:$0x1], $0xffff;
	[tilespmem:v0+s19+$0x10 ss:$0x1] =	vst.idx.msk $0xffff, v3  }
0x31: {  	v2 =	vld.idx.msk [tilespmem:v1+s20+$0xFFFFFFD0 ss:$0x1], $0xffff;
	[tilespmem:v0+s19+$0x20 ss:$0x1] =	vst.idx.msk $0xffff, v7;
	s19 =	smov.u32 s20  }
0x32: {  	v3 =	vld.idx.msk [tilespmem:v1+s19+$0xFFFFFFE0 ss:$0x1], $0xffff;
	[tilespmem:v0+s19+$0x30 ss:$0x1] =	vst.idx.msk $0xffff, v8  }
0x33: {  	s20 =	sshra.s32 s21, $0x2;
	s21 =	sadd.s32 $0x200, s21;
	[tilespmem:v0+s19+$0xFFFFFFC0 ss:$0x1] =	vst.idx.msk $0xffff, v9;
	v7 =	vld.idx.msk [tilespmem:v1+s19+$0xFFFFFFF0 ss:$0x1], $0xffff  }
0x34: {  	_ =	sdelay $0x3  }
0x35: {  	[tilespmem:v0+s19+$0xFFFFFFD0 ss:$0x1] =	vst.idx.msk $0xffff, v6  }
0x36: {  	v56 =	vld.idx.msk [tilespmem:v1+s20+$0x0 ss:$0x1], $0xffff;
	[tilespmem:v0+s19+$0xFFFFFFE0 ss:$0x1] =	vst.idx.msk $0xffff, v5  }
0x37: {  	v57 =	vld.idx.msk [tilespmem:v1+s20+$0xFFFFFF90 ss:$0x1], $0xffff;
	[tilespmem:v0+s19+$0xFFFFFFF0 ss:$0x1] =	vst.idx.msk $0xffff, v4  }
0x38: {  	v58 =	vld.idx.msk [tilespmem:v1+s20+$0xFFFFFFA0 ss:$0x1], $0xffff;
	[tilespmem:v0+s19+$0x0 ss:$0x1] =	vst.idx.msk $0xffff, v2  }
0x39: {  	v59 =	vld.idx.msk [tilespmem:v1+s20+$0xFFFFFFB0 ss:$0x1], $0xffff;
	[tilespmem:v0+s19+$0x10 ss:$0x1] =	vst.idx.msk $0xffff, v3  }
0x3a: {  	v60 =	vld.idx.msk [tilespmem:v1+s20+$0xFFFFFFC0 ss:$0x1], $0xffff;
	[tilespmem:v0+s19+$0x20 ss:$0x1] =	vst.idx.msk $0xffff, v7  }
0x3b: {  	v61 =	vld.idx.msk [tilespmem:v1+s20+$0xFFFFFFD0 ss:$0x1], $0xffff;
	[tilespmem:v0+s20+$0x30 ss:$0x1] =	vst.idx.msk $0xffff, v56  }
0x3c: {  	v62 =	vld.idx.msk [tilespmem:v1+s20+$0xFFFFFFE0 ss:$0x1], $0xffff;
	s18 =	sadd.s32 $0x1, s18;
	[tilespmem:v0+s20+$0xFFFFFFC0 ss:$0x1] =	vst.idx.msk $0xffff, v57  }
0x3d: {  	v63 =	vld.idx.msk [tilespmem:v1+s20+$0xFFFFFFF0 ss:$0x1], $0xffff;
	p1 =	sne.s32 s18, $0x10;
	[tilespmem:v0+s20+$0xFFFFFFD0 ss:$0x1] =	vst.idx.msk $0xffff, v58  }
.Ltmp4:
0x3e: {  	[tilespmem:v0+s20+$0xFFFFFFE0 ss:$0x1] =	vst.idx.msk $0xffff, v59;
	(pc) =	sbr.rel @p1 .LBB1_3-.Ltmp4, $4  }
0x3f: {  	[tilespmem:v0+s20+$0xFFFFFFF0 ss:$0x1] =	vst.idx.msk $0xffff, v60  }
0x40: {  	[tilespmem:v0+s20+$0x0 ss:$0x1] =	vst.idx.msk $0xffff, v61  }
0x41: {  	[tilespmem:v0+s20+$0x10 ss:$0x1] =	vst.idx.msk $0xffff, v62  }
0x42: {  	s15 =	sadd.s32 $0x400, s15;
	s17 =	sadd.s32 $0x400, s17;
	[tilespmem:v0+s20+$0x20 ss:$0x1] =	vst.idx.msk $0xffff, v63  }
0x43: {  	s14 =	smul.u32 $0x380, s14  }
.Ltmp5:
0x44: {  	_ = 	snop;
	(pc) =	sbr.rel .LBB1_7-.Ltmp5, $4  }
0x45: {  	_ = 	snop  }
0x46: {  	s13 =	sshll.u32 s13, $0x7;
	s14 =	sadd.s32 s4, s14  }
0x47: {  	s13 =	sadd.s32 s13, s14  }
0x48: {  	[hbm4b:s13+s9] =	stream.strided.scatter [tilespmem:s16], [sflag:$0x2], $0x4000, s10, s9, $0x38;
	[tilespmem:$0x10000] =	vst v63  }
.LBB1_8:
0x49: {  	_ =	sfence.sel $0x180000  }
0x4a: {  	s2 =	simm.s32 $0x1;
	[bflag:$0x0] =	sbarrier.arrive $0xFFFF  }
0x4b: {  	s31 =	simm.s32 $0x2;
	[sflag:s2] =	ssyncpa.u1 $0x1  }
0x4c: {  	[sflag:s31] =	ssyncpa.u1 $0x1  }
0x4d: {  	p0 =	sne.s32 s0, $0x0;
	_ =	strace $0x90000047  }
0x4e: {  	s0 =	sadd.s32 @!p0 $0x100000, s1;
	[bflag:$0x2] =	sbarrier.arrive $0xFFFF  }
0x4f: {  	[sflag:s0] =	ssyncadd.tile.s32 @!p0 $0x1;
	_ =	shalt  }
.Lfunc_end1:
_tile_overlayer_lowered:
.L_overlay_start_2:
0x50: {  	(tag) =	ssettag $0x2  }
0x51: {  	s0 =	rddreg [dreg:$0x0];
	s2 =	stileid.u32  }
0x52: {  	s1 =	rddreg [dreg:$0x1];
	p0 =	sne.s32 s2, $0x0  }
0x53: {  	s3 =	rddreg [dreg:$0x2];
	[bflag:$0x3] =	sbarrier.arrive $0xFFFF;
	s2 =	simm.s32 @!p0 $0x1C01  }
0x54: {  	[timem:s3], [sflag:s2] =	dma.local @!p0 [hbm:s0], s1  }
0x55: {  	s0 =	simm.s32 @!p0 $0x1  }
0x56: {  	_ =	swait.ge @!p0 [sflag:s0], s1  }
0x57: {  	s1 =	ssub.s32 @!p0 $0x0, s1;
	[sflag:s0] =	ssyncset.done @!p0 $0x0  }
0x58: {  	[sflag:s0] =	ssyncadd.s32 @!p0 s1  }
0x59: {  	[bflag:$0x3] =	sbarrier.arrive $0xFFFF  }
0x5a: {  	_ =	shalt  }

</sc_bundles>
